<compile_context>
chip_gen: v7x
topology: tpu7x:2x2x1
jax: 0.10.2.dev20260603
libtpu: 0.0.44.dev20260713+nightly
codegen_flags: <defaults>
</compile_context>

<pallas_src>
import dataclasses
import functools

import jax
import jax.numpy as jnp
from jax import lax
from jax.experimental import pallas as pl
from jax.experimental.pallas import tpu as pltpu
from jax.experimental.pallas import tpu_sc as plsc

N = 10000
E = 320000
VSTD = 0.0016
GCHUNK = 4000
NQ = E // GCHUNK
NODE_BLK = 2000

_HI = jax.lax.Precision.DEFAULT


def _table_kernel(pos_ref, tbl_ref):
    p = pos_ref[...]
    lp = p[:, 10:12]
    ls = (p[:, 10:12] - p[:, 8:10]) * (1.0 / VSTD)
    tbl_ref[...] = jnp.concatenate([lp, ls], axis=1)


def _node_kernel(pos_ref, bounds_ref, w1_ref, b1_ref, w2_ref, b2_ref,
                 w3_ref, b3_ref, g_ref, bb_ref, x_ref):
    p = pos_ref[...]
    ns = (p[:, 2:12] - p[:, 0:10]) * (1.0 / VSTD)
    lp = p[:, 10:12]
    lx = p[:, 10:11]
    ly = p[:, 11:12]
    xbd = jnp.clip(lx - bounds_ref[0:1, :], -1.0, 1.0)
    ybd = jnp.clip(ly - bounds_ref[1:2, :], -1.0, 1.0)
    xf = jnp.concatenate([ns, lp, xbd, ybd], axis=1)
    h = jax.nn.relu(jnp.dot(xf, w1_ref[...], precision=_HI) + b1_ref[...])
    h = jax.nn.relu(jnp.dot(h, w2_ref[...], precision=_HI) + b2_ref[...])
    h = jnp.dot(h, w3_ref[...], precision=_HI) + b3_ref[...]
    m = jnp.mean(h, axis=-1, keepdims=True)
    hc = h - m
    v = jnp.mean(hc * hc, axis=-1, keepdims=True)
    x_ref[...] = hc * jax.lax.rsqrt(v + 1e-5) * g_ref[...] + bb_ref[...]


def _edge_kernel(g_ref, w1_ref, b1_ref, w2_ref, b2_ref,
                 w3_ref, b3_ref, gg_ref, bb_ref, ea_ref):
    _edge_body(g_ref, w1_ref, b1_ref, w2_ref, b2_ref,
               w3_ref, b3_ref, gg_ref, bb_ref, ea_ref)


def _edge_kernel_alias(a_ref, g_ref, w1_ref, b1_ref, w2_ref, b2_ref,
                       w3_ref, b3_ref, gg_ref, bb_ref, ea_ref):
    del a_ref
    _edge_body(g_ref, w1_ref, b1_ref, w2_ref, b2_ref,
               w3_ref, b3_ref, gg_ref, bb_ref, ea_ref)


def _edge_body(g_ref, w1_ref, b1_ref, w2_ref, b2_ref,
               w3_ref, b3_ref, gg_ref, bb_ref, ea_ref):
    m = g_ref[...].reshape(8, GCHUNK)
    diff = m[0:4] - m[4:8]
    dpx = diff[0:1]
    dpy = diff[1:2]
    dsx = diff[2:3]
    dsy = diff[3:4]
    dist = jnp.sqrt(dpx * dpx + dpy * dpy)
    absv = jnp.sqrt(dsx * dsx + dsy * dsy)
    rm = (dsx * dpx + dsy * dpy) / (absv + 1e-6) / (dist + 1e-6)
    feat = jnp.concatenate(
        [diff[0:2], dist, diff[2:4], absv, rm, jnp.zeros_like(rm)], axis=0)
    h = jax.nn.relu(jnp.dot(w1_ref[...], feat, precision=_HI) + b1_ref[...])
    h = jax.nn.relu(jnp.dot(w2_ref[...], h, precision=_HI) + b2_ref[...])
    h = jnp.dot(w3_ref[...], h, precision=_HI) + b3_ref[...]
    mn = jnp.mean(h, axis=0, keepdims=True)
    hc = h - mn
    v = jnp.mean(hc * hc, axis=0, keepdims=True)
    out = hc * jax.lax.rsqrt(v + 1e-5) * gg_ref[...] + bb_ref[...]
    ea_ref[...] = jnp.transpose(out)


def _sc_gather(table_flat, idx, q0, nqp):
    info = plsc.get_sparse_core_info()
    nc = info.num_cores
    nw = nc * info.num_subcores
    q_rounds = (nqp + nw - 1) // nw
    assert q_rounds == 2
    mesh = plsc.VectorSubcoreMesh(core_axis_name="c", subcore_axis_name="s")
    cp = pltpu.CompilerParams()
    if "needs_layout_passes" in pltpu.CompilerParams.__dataclass_fields__:
        cp = dataclasses.replace(cp, needs_layout_passes=False)

    rem = nqp - (q_rounds - 1) * nw

    @functools.partial(
        pl.kernel, mesh=mesh, compiler_params=cp,
        out_type=jax.ShapeDtypeStruct((nqp, 8, GCHUNK), jnp.float32),
        scratch_types=[
            pltpu.VMEM((table_flat.shape[0],), jnp.float32),
            pltpu.VMEM_SHARED((table_flat.shape[0],), jnp.float32),
            pltpu.VMEM((GCHUNK,), jnp.int32),
            pltpu.VMEM((GCHUNK,), jnp.int32),
            pltpu.VMEM((GCHUNK,), jnp.int32),
            pltpu.VMEM((GCHUNK,), jnp.int32),
            pltpu.VMEM((8, GCHUNK), jnp.float32),
            pltpu.VMEM((8, GCHUNK), jnp.float32),
            pltpu.SemaphoreType.DMA,
            pltpu.SemaphoreType.DMA,
            pltpu.SemaphoreType.DMA,
            pltpu.SemaphoreType.DMA,
            pltpu.SemaphoreType.DMA,
        ],
    )
    def k(tbl_hbm, idx_hbm, out_hbm, tbl_v, tbl_sh, i00, i01, i10, i11,
          ov0, ov1, tsem, isem0, isem1, osem0, osem1):
        wid = lax.axis_index("s") * nc + lax.axis_index("c")
        ibufs = ((i00, i01), (i10, i11))
        isems = (isem0, isem1)
        obufs = (ov0, ov1)
        osems = (osem0, osem1)

        def idx_copy(t, buf):
            return (
                pltpu.async_copy(
                    idx_hbm.at[pl.ds(t * GCHUNK, GCHUNK)],
                    ibufs[buf][0], isems[buf]),
                pltpu.async_copy(
                    idx_hbm.at[pl.ds(E + t * GCHUNK, GCHUNK)],
                    ibufs[buf][1], isems[buf]),
            )

        def gather(buf):
            src_i, dst_i = ibufs[buf]
            ov = obufs[buf]

            @pl.loop(0, GCHUNK, step=16)
            def _(j):
                gs = src_i[pl.ds(j, 16)] * 4
                gd = dst_i[pl.ds(j, 16)] * 4
                for c in range(4):
                    ov[c, pl.ds(j, 16)] = plsc.load_gather(tbl_v, [gs + c])
                    ov[4 + c, pl.ds(j, 16)] = plsc.load_gather(tbl_v, [gd + c])

        t0, t1 = q0 + wid, q0 + nw + wid

        @pl.when(lax.axis_index("s") == 0)
        def _():
            pltpu.async_copy(tbl_hbm, tbl_sh, tsem).wait()

        i0a, i0b = idx_copy(t0, 0)

        @pl.when(wid < rem)
        def _():
            idx_copy(t1, 1)

        plsc.subcore_barrier()
        pltpu.sync_copy(tbl_sh, tbl_v)
        i0a.wait()
        i0b.wait()
        gather(0)
        o0 = pltpu.async_copy(ov0, out_hbm.at[t0 - q0], osems[0])

        @pl.when(wid < rem)
        def _():
            pltpu.make_async_copy(
                idx_hbm.at[pl.ds(t1 * GCHUNK, GCHUNK)], i10, isems[1]).wait()
            pltpu.make_async_copy(
                idx_hbm.at[pl.ds(E + t1 * GCHUNK, GCHUNK)],
                i11, isems[1]).wait()
            gather(1)
            pltpu.async_copy(ov1, out_hbm.at[t1 - q0], osems[1]).wait()

        o0.wait()

    return k(table_flat, idx)


def kernel(position, batch_index, edge_index, bounds, W1, b1, W2, b2, W3, b3,
           ln_g, ln_b, We1, be1, We2, be2, We3, be3, eln_g, eln_b):
    p2d = position.reshape(N, 12)

    table = pl.pallas_call(
        _table_kernel,
        grid=(N // NODE_BLK,),
        in_specs=[pl.BlockSpec((NODE_BLK, 12), lambda i: (i, 0))],
        out_specs=pl.BlockSpec((NODE_BLK, 4), lambda i: (i, 0)),
        out_shape=jax.ShapeDtypeStruct((N, 4), jnp.float32),
    )(p2d)

    idx = edge_index.reshape(2 * E).astype(jnp.int32)
    tbl_flat = table.reshape(4 * N)
    nh = NQ // 2
    g_a = _sc_gather(tbl_flat, idx, 0, nh)
    g_b = _sc_gather(tbl_flat, idx, nh, nh)

    full = lambda shape: pl.BlockSpec(shape, lambda i: (0,) * len(shape))
    x = pl.pallas_call(
        _node_kernel,
        grid=(N // NODE_BLK,),
        in_specs=[
            pl.BlockSpec((NODE_BLK, 12), lambda i: (i, 0)),
            full((2, 2)),
            full((16, 32)), full((1, 32)),
            full((32, 64)), full((1, 64)),
            full((64, 128)), full((1, 128)),
            full((1, 128)), full((1, 128)),
        ],
        out_specs=pl.BlockSpec((NODE_BLK, 128), lambda i: (i, 0)),
        out_shape=jax.ShapeDtypeStruct((N, 128), jnp.float32),
    )(p2d, bounds, W1.T, b1.reshape(1, 32), W2.T, b2.reshape(1, 64),
      W3.T, b3.reshape(1, 128), ln_g.reshape(1, 128), ln_b.reshape(1, 128))

    We1p = jnp.pad(We1, ((0, 0), (0, 1)))
    wargs = (We1p, be1.reshape(32, 1), We2, be2.reshape(64, 1),
             We3, be3.reshape(128, 1), eln_g.reshape(128, 1),
             eln_b.reshape(128, 1))
    wspecs = [full((32, 8)), full((32, 1)),
              full((64, 32)), full((64, 1)),
              full((128, 64)), full((128, 1)),
              full((128, 1)), full((128, 1))]
    ea_half = pl.pallas_call(
        _edge_kernel,
        grid=(nh,),
        in_specs=[pl.BlockSpec((1, 8, GCHUNK), lambda i: (i, 0, 0))] + wspecs,
        out_specs=pl.BlockSpec((GCHUNK, 128), lambda i: (i, 0)),
        out_shape=jax.ShapeDtypeStruct((E, 128), jnp.float32),
    )(g_a, *wargs)

    ea = pl.pallas_call(
        _edge_kernel_alias,
        grid=(nh,),
        in_specs=[pl.BlockSpec(memory_space=pltpu.MemorySpace.HBM),
                  pl.BlockSpec((1, 8, GCHUNK), lambda i: (i, 0, 0))] + wspecs,
        out_specs=pl.BlockSpec((GCHUNK, 128), lambda i: (i + nh, 0)),
        out_shape=jax.ShapeDtypeStruct((E, 128), jnp.float32),
        input_output_aliases={0: 0},
    )(ea_half, g_b, *wargs)

    return (x, edge_index, ea, batch_index)

# --- scband reference (transcript-rebuilt; emitter-appended) ---
"""Pipeline reference for scband-encoder-41455024341316 (READ-ONLY COPY).

The authoritative reference and input builder live on the scoring server;
editing this copy changes nothing except your own understanding.
"""

import jax, jax.numpy as jnp
import numpy as np

N = 10000
C = 5
E = 320000
VMEAN = 0.0
VSTD = 0.0016

def _linear(x, W, b):
    return x @ W.T + b

def _layer_norm(x, g, b, eps=1e-5):
    m = jnp.mean(x, axis=-1, keepdims=True)
    v = jnp.var(x, axis=-1, keepdims=True)
    return (x - m) / jnp.sqrt(v + eps) * g + b

def _position2x(position, bounds):
    n = position.shape[0]
    speeds = position[:, 1:, :] - position[:, :-1, :]
    ns = (speeds - VMEAN) / VSTD
    last_position = position[:, -1, :]
    xp = jnp.stack([position[:, -1, 0], position[:, -1, 0]], axis=1)
    xb = jnp.broadcast_to(bounds[0, :], (n, 2))
    xbd = jnp.clip(xp - xb, -1.0, 1.0)
    yp = jnp.stack([position[:, -1, 1], position[:, -1, 1]], axis=1)
    yb = jnp.broadcast_to(bounds[1, :], (n, 2))
    ybd = jnp.clip(yp - yb, -1.0, 1.0)
    return jnp.concatenate([ns.reshape(n, -1), last_position, xbd, ybd], axis=1)

def setup_inputs(seed: int = 0):
    key = jax.random.key(seed)
    ks = jax.random.split(key, 24)
    position = jax.random.uniform(ks[0], (N, C + 1, 2), dtype=jnp.float32)
    batch_index = jnp.sort(jax.random.randint(ks[1], (N,), 0, 8))
    edge_index = jax.random.randint(ks[2], (2, E), 0, N)
    bounds = jnp.array([[0.0, 1.0], [0.0, 1.0]], dtype=jnp.float32)
    def lin(k, o, i):
        s = 1.0 / np.sqrt(i)
        return jax.random.uniform(k, (o, i), jnp.float32, -s, s)
    return {
        'position': position,
        'batch_index': batch_index,
        'edge_index': edge_index,
        'bounds': bounds,
        'W1': lin(ks[3], 32, 16), 'b1': jnp.zeros((32,), jnp.float32),
        'W2': lin(ks[4], 64, 32), 'b2': jnp.zeros((64,), jnp.float32),
        'W3': lin(ks[5], 128, 64), 'b3': jnp.zeros((128,), jnp.float32),
        'ln_g': jnp.ones((128,), jnp.float32), 'ln_b': jnp.zeros((128,), jnp.float32),
        'We1': lin(ks[6], 32, 7), 'be1': jnp.zeros((32,), jnp.float32),
        'We2': lin(ks[7], 64, 32), 'be2': jnp.zeros((64,), jnp.float32),
        'We3': lin(ks[8], 128, 64), 'be3': jnp.zeros((128,), jnp.float32),
        'eln_g': jnp.ones((128,), jnp.float32), 'eln_b': jnp.zeros((128,), jnp.float32),
    }

def reference(position, batch_index, edge_index, bounds, W1, b1, W2, b2, W3, b3, ln_g, ln_b, We1, be1, We2, be2, We3, be3, eln_g, eln_b):
    x = _position2x(position, bounds)
    x = jax.nn.relu(_linear(x, W1, b1))
    x = jax.nn.relu(_linear(x, W2, b2))
    x = _layer_norm(_linear(x, W3, b3), ln_g, ln_b)
    src = edge_index[0, :]
    dst = edge_index[1, :]
    delta_pos = position[src, -1, :] - position[dst, -1, :]
    dist = jnp.sqrt(delta_pos[:, 0] ** 2 + delta_pos[:, 1] ** 2)[:, None]
    last_speeds = position[:, -1, :] - position[:, -2, :]
    delta_speeds = (last_speeds[src, :] - last_speeds[dst, :]) / VSTD
    abs_speeds = jnp.sqrt(delta_speeds[:, 0] ** 2 + delta_speeds[:, 1] ** 2)[:, None]
    relative_motion = (delta_speeds[:, 0] * delta_pos[:, 0] + delta_speeds[:, 1] * delta_pos[:, 1])[:, None] / (abs_speeds + 1e-06) / (dist + 1e-06)
    ea = jnp.concatenate([delta_pos, dist, delta_speeds, abs_speeds, relative_motion], axis=1)
    ea = jax.nn.relu(_linear(ea, We1, be1))
    ea = jax.nn.relu(_linear(ea, We2, be2))
    ea = _layer_norm(_linear(ea, We3, be3), eln_g, eln_b)
    return (x, edge_index, ea, batch_index)

if __name__ == "__main__":
    import jax
    _d = setup_inputs()
    print(jax.jit(kernel)(*tuple(_d.values())))

</pallas_src>

<mosaic_0001>
#map = affine_map<(d0, d1) -> (0)>
#map1 = affine_map<(d0, d1) -> (0, 0, 0)>
module attributes {stable_mosaic.version = 14 : i64} {
  func.func @k(%arg0: i32, %arg1: i32, %arg2: memref<40000xf32, #tpu.memory_space<hbm>>, %arg3: memref<640000xi32, #tpu.memory_space<hbm>>, %arg4: memref<40x8x4000xf32, #tpu.memory_space<hbm>>, %arg5: memref<40000xf32, #tpu.memory_space<vmem>>, %arg6: memref<40000xf32, #tpu.memory_space<vmem_shared>>, %arg7: memref<4000xi32, #tpu.memory_space<vmem>>, %arg8: memref<4000xi32, #tpu.memory_space<vmem>>, %arg9: memref<4000xi32, #tpu.memory_space<vmem>>, %arg10: memref<4000xi32, #tpu.memory_space<vmem>>, %arg11: memref<8x4000xf32, #tpu.memory_space<vmem>>, %arg12: memref<8x4000xf32, #tpu.memory_space<vmem>>, %arg13: memref<!tpu.dma_semaphore, #tpu.memory_space<semaphore_mem>>, %arg14: memref<!tpu.dma_semaphore, #tpu.memory_space<semaphore_mem>>, %arg15: memref<!tpu.dma_semaphore, #tpu.memory_space<semaphore_mem>>, %arg16: memref<!tpu.dma_semaphore, #tpu.memory_space<semaphore_mem>>, %arg17: memref<!tpu.dma_semaphore, #tpu.memory_space<semaphore_mem>>) attributes {dimension_semantics = [#tpu.dimension_semantics<core_parallel>, #tpu.dimension_semantics<subcore_parallel>], iteration_bounds = array<i64: 2, 16>, scalar_prefetch = 0 : i64, scratch_operands = 13 : i64, tpu.core_type = #tpu.core_type<sc_vector_subcore>, window_params = [{transform_indices = #map}, {transform_indices = #map}, {transform_indices = #map1}]} {
    %mul3A = arith.constant 2 : i32
    %mul3A_0 = arith.muli %arg1, %mul3A : i32
    %add3A = arith.addi %mul3A_0, %arg0 : i32
    %add3A_1 = arith.constant 40 : i32
    %add3A_2 = arith.addi %add3A_1, %add3A : i32
    %add3A_3 = arith.constant 72 : i32
    %add3A_4 = arith.addi %add3A_3, %add3A : i32
    %eq3A = arith.constant 0 : i32
    %eq3A_5 = arith.cmpi eq, %arg1, %eq3A : i32
    %convert_element_type3A = arith.extui %eq3A_5 : i1 to i32
    %cond3A = arith.constant 0 : i32
    %cond3A_6 = arith.cmpi ne, %convert_element_type3A, %cond3A : i32
    scf.if %cond3A_6 {
      tpu.enqueue_dma source(%arg2 : memref<40000xf32, #tpu.memory_space<hbm>>) target(%arg6 : memref<40000xf32, #tpu.memory_space<vmem_shared>>) target_semaphore(%arg13 : memref<!tpu.dma_semaphore, #tpu.memory_space<semaphore_mem>>)
      tpu.wait_dma2 semaphore(%arg13 : memref<!tpu.dma_semaphore, #tpu.memory_space<semaphore_mem>>) src(%arg2 : memref<40000xf32, #tpu.memory_space<hbm>>) dst(%arg6 : memref<40000xf32, #tpu.memory_space<vmem_shared>>)
    } else {
    }
    %mul3A_7 = arith.constant 4000 : i32
    %mul3A_8 = arith.muli %add3A_2, %mul3A_7 : i32
    %dma_start3A = tpu.memref_slice %arg3[%mul3A_8] : memref<640000xi32, #tpu.memory_space<hbm>> -> memref<4000xi32, #tpu.memory_space<hbm>>
    %dma_start3A_9 = tpu.memref_slice %arg3[%mul3A_8] : memref<640000xi32, #tpu.memory_space<hbm>> -> memref<4000xi32, #tpu.memory_space<hbm>>
    tpu.enqueue_dma source(%dma_start3A_9 : memref<4000xi32, #tpu.memory_space<hbm>>) target(%arg7 : memref<4000xi32, #tpu.memory_space<vmem>>) target_semaphore(%arg14 : memref<!tpu.dma_semaphore, #tpu.memory_space<semaphore_mem>>)
    %mul3A_10 = arith.constant 4000 : i32
    %mul3A_11 = arith.muli %add3A_2, %mul3A_10 : i32
    %add3A_12 = arith.constant 320000 : i32
    %add3A_13 = arith.addi %add3A_12, %mul3A_11 : i32
    %dma_start3A_14 = tpu.memref_slice %arg3[%add3A_13] : memref<640000xi32, #tpu.memory_space<hbm>> -> memref<4000xi32, #tpu.memory_space<hbm>>
    %dma_start3A_15 = tpu.memref_slice %arg3[%add3A_13] : memref<640000xi32, #tpu.memory_space<hbm>> -> memref<4000xi32, #tpu.memory_space<hbm>>
    tpu.enqueue_dma source(%dma_start3A_15 : memref<4000xi32, #tpu.memory_space<hbm>>) target(%arg8 : memref<4000xi32, #tpu.memory_space<vmem>>) target_semaphore(%arg14 : memref<!tpu.dma_semaphore, #tpu.memory_space<semaphore_mem>>)
    %lt3A = arith.constant 8 : i32
    %lt3A_16 = arith.cmpi slt, %add3A, %lt3A : i32
    %convert_element_type3A_17 = arith.extui %lt3A_16 : i1 to i32
    %cond3A_18 = arith.constant 0 : i32
    %cond3A_19 = arith.cmpi ne, %convert_element_type3A_17, %cond3A_18 : i32
    scf.if %cond3A_19 {
      %mul3A_49 = arith.constant 4000 : i32
      %mul3A_50 = arith.muli %add3A_4, %mul3A_49 : i32
      %dma_start3A_51 = tpu.memref_slice %arg3[%mul3A_50] : memref<640000xi32, #tpu.memory_space<hbm>> -> memref<4000xi32, #tpu.memory_space<hbm>>
      %dma_start3A_52 = tpu.memref_slice %arg3[%mul3A_50] : memref<640000xi32, #tpu.memory_space<hbm>> -> memref<4000xi32, #tpu.memory_space<hbm>>
      tpu.enqueue_dma source(%dma_start3A_52 : memref<4000xi32, #tpu.memory_space<hbm>>) target(%arg9 : memref<4000xi32, #tpu.memory_space<vmem>>) target_semaphore(%arg15 : memref<!tpu.dma_semaphore, #tpu.memory_space<semaphore_mem>>)
      %mul3A_53 = arith.constant 4000 : i32
      %mul3A_54 = arith.muli %add3A_4, %mul3A_53 : i32
      %add3A_55 = arith.constant 320000 : i32
      %add3A_56 = arith.addi %add3A_55, %mul3A_54 : i32
      %dma_start3A_57 = tpu.memref_slice %arg3[%add3A_56] : memref<640000xi32, #tpu.memory_space<hbm>> -> memref<4000xi32, #tpu.memory_space<hbm>>
      %dma_start3A_58 = tpu.memref_slice %arg3[%add3A_56] : memref<640000xi32, #tpu.memory_space<hbm>> -> memref<4000xi32, #tpu.memory_space<hbm>>
      tpu.enqueue_dma source(%dma_start3A_58 : memref<4000xi32, #tpu.memory_space<hbm>>) target(%arg10 : memref<4000xi32, #tpu.memory_space<vmem>>) target_semaphore(%arg15 : memref<!tpu.dma_semaphore, #tpu.memory_space<semaphore_mem>>)
    } else {
    }
    %barrier3A = arith.constant 0 : index
    tpu.barrier barrier_id(%barrier3A)
    "tpu.region"() ({
      %run_scoped3A = tpu.sem_alloc : memref<!tpu.dma_semaphore, #tpu.memory_space<semaphore_mem>>
      tpu.enqueue_dma source(%arg6 : memref<40000xf32, #tpu.memory_space<vmem_shared>>) target(%arg5 : memref<40000xf32, #tpu.memory_space<vmem>>) target_semaphore(%run_scoped3A : memref<!tpu.dma_semaphore, #tpu.memory_space<semaphore_mem>>)
      tpu.wait_dma2 semaphore(%run_scoped3A : memref<!tpu.dma_semaphore, #tpu.memory_space<semaphore_mem>>) src(%arg6 : memref<40000xf32, #tpu.memory_space<vmem_shared>>) dst(%arg5 : memref<40000xf32, #tpu.memory_space<vmem>>)
      tpu.yield
    }) : () -> ()
    %dma_wait3A = tpu.memref_slice %arg3[%mul3A_8] : memref<640000xi32, #tpu.memory_space<hbm>> -> memref<4000xi32, #tpu.memory_space<hbm>>
    %dma_wait3A_20 = tpu.memref_slice %arg3[%mul3A_8] : memref<640000xi32, #tpu.memory_space<hbm>> -> memref<4000xi32, #tpu.memory_space<hbm>>
    tpu.wait_dma2 semaphore(%arg14 : memref<!tpu.dma_semaphore, #tpu.memory_space<semaphore_mem>>) src(%dma_wait3A_20 : memref<4000xi32, #tpu.memory_space<hbm>>) dst(%arg7 : memref<4000xi32, #tpu.memory_space<vmem>>)
    %dma_wait3A_21 = tpu.memref_slice %arg3[%add3A_13] : memref<640000xi32, #tpu.memory_space<hbm>> -> memref<4000xi32, #tpu.memory_space<hbm>>
    %dma_wait3A_22 = tpu.memref_slice %arg3[%add3A_13] : memref<640000xi32, #tpu.memory_space<hbm>> -> memref<4000xi32, #tpu.memory_space<hbm>>
    tpu.wait_dma2 semaphore(%arg14 : memref<!tpu.dma_semaphore, #tpu.memory_space<semaphore_mem>>) src(%dma_wait3A_22 : memref<4000xi32, #tpu.memory_space<hbm>>) dst(%arg8 : memref<4000xi32, #tpu.memory_space<vmem>>)
    %scan3A = arith.constant 0 : i32
    %scan3A_23 = arith.constant 250 : i32
    %scan3A_24 = arith.addi %scan3A, %scan3A_23 : i32
    %scan3A_25 = arith.constant 1 : i32
    scf.for %scan3A_49 = %scan3A to %scan3A_24 step %scan3A_25  : i32 {
      %mul3A_50 = arith.constant 16 : i32
      %mul3A_51 = arith.muli %scan3A_49, %mul3A_50 : i32
      %add3A_52 = arith.constant 0 : i32
      %add3A_53 = arith.addi %add3A_52, %mul3A_51 : i32
      %get3A = arith.index_cast %add3A_53 : i32 to index
      %get3A_54 = tpu.vector_load %arg7[%get3A] {strides = array<i32>} : memref<4000xi32, #tpu.memory_space<vmem>>, vector<16xi32>,
      %mul3A_55 = arith.constant 4 : i32
      %mul3A_56 = vector.broadcast %mul3A_55 : i32 to vector<16xi32>
      %mul3A_57 = arith.muli %get3A_54, %mul3A_56 : vector<16xi32>
      %get3A_58 = arith.index_cast %add3A_53 : i32 to index
      %get3A_59 = tpu.vector_load %arg8[%get3A_58] {strides = array<i32>} : memref<4000xi32, #tpu.memory_space<vmem>>, vector<16xi32>,
      %mul3A_60 = arith.constant 4 : i32
      %mul3A_61 = vector.broadcast %mul3A_60 : i32 to vector<16xi32>
      %mul3A_62 = arith.muli %get3A_59, %mul3A_61 : vector<16xi32>
      %add3A_63 = arith.constant 0 : i32
      %add3A_64 = vector.broadcast %add3A_63 : i32 to vector<16xi32>
      %add3A_65 = arith.addi %mul3A_57, %add3A_64 : vector<16xi32>
      %gather3A = tpu.vector_load_idx %arg5[%add3A_65] : memref<40000xf32, #tpu.memory_space<vmem>>[vector<16xi32>], vector<16xf32>,
      %swap3A = arith.constant 0 : i32
      %swap3A_66 = arith.index_cast %swap3A : i32 to index
      %swap3A_67 = arith.index_cast %add3A_53 : i32 to index
      %swap3A_68 = tpu.vector_load %arg11[%swap3A_66, %swap3A_67] {strides = array<i32>} : memref<8x4000xf32, #tpu.memory_space<vmem>>, vector<16xf32>,
      tpu.vector_store %arg11[%swap3A_66, %swap3A_67], %gather3A {strides = array<i32>} : memref<8x4000xf32, #tpu.memory_space<vmem>>, vector<16xf32>,
      %add3A_69 = arith.constant 0 : i32
      %add3A_70 = vector.broadcast %add3A_69 : i32 to vector<16xi32>
      %add3A_71 = arith.addi %mul3A_62, %add3A_70 : vector<16xi32>
      %gather3A_72 = tpu.vector_load_idx %arg5[%add3A_71] : memref<40000xf32, #tpu.memory_space<vmem>>[vector<16xi32>], vector<16xf32>,
      %swap3A_73 = arith.constant 4 : i32
      %swap3A_74 = arith.index_cast %swap3A_73 : i32 to index
      %swap3A_75 = arith.index_cast %add3A_53 : i32 to index
      %swap3A_76 = tpu.vector_load %arg11[%swap3A_74, %swap3A_75] {strides = array<i32>} : memref<8x4000xf32, #tpu.memory_space<vmem>>, vector<16xf32>,
      tpu.vector_store %arg11[%swap3A_74, %swap3A_75], %gather3A_72 {strides = array<i32>} : memref<8x4000xf32, #tpu.memory_space<vmem>>, vector<16xf32>,
      %add3A_77 = arith.constant 1 : i32
      %add3A_78 = vector.broadcast %add3A_77 : i32 to vector<16xi32>
      %add3A_79 = arith.addi %mul3A_57, %add3A_78 : vector<16xi32>
      %gather3A_80 = tpu.vector_load_idx %arg5[%add3A_79] : memref<40000xf32, #tpu.memory_space<vmem>>[vector<16xi32>], vector<16xf32>,
      %swap3A_81 = arith.constant 1 : i32
      %swap3A_82 = arith.index_cast %swap3A_81 : i32 to index
      %swap3A_83 = arith.index_cast %add3A_53 : i32 to index
      %swap3A_84 = tpu.vector_load %arg11[%swap3A_82, %swap3A_83] {strides = array<i32>} : memref<8x4000xf32, #tpu.memory_space<vmem>>, vector<16xf32>,
      tpu.vector_store %arg11[%swap3A_82, %swap3A_83], %gather3A_80 {strides = array<i32>} : memref<8x4000xf32, #tpu.memory_space<vmem>>, vector<16xf32>,
      %add3A_85 = arith.constant 1 : i32
      %add3A_86 = vector.broadcast %add3A_85 : i32 to vector<16xi32>
      %add3A_87 = arith.addi %mul3A_62, %add3A_86 : vector<16xi32>
      %gather3A_88 = tpu.vector_load_idx %arg5[%add3A_87] : memref<40000xf32, #tpu.memory_space<vmem>>[vector<16xi32>], vector<16xf32>,
      %swap3A_89 = arith.constant 5 : i32
      %swap3A_90 = arith.index_cast %swap3A_89 : i32 to index
      %swap3A_91 = arith.index_cast %add3A_53 : i32 to index
      %swap3A_92 = tpu.vector_load %arg11[%swap3A_90, %swap3A_91] {strides = array<i32>} : memref<8x4000xf32, #tpu.memory_space<vmem>>, vector<16xf32>,
      tpu.vector_store %arg11[%swap3A_90, %swap3A_91], %gather3A_88 {strides = array<i32>} : memref<8x4000xf32, #tpu.memory_space<vmem>>, vector<16xf32>,
      %add3A_93 = arith.constant 2 : i32
      %add3A_94 = vector.broadcast %add3A_93 : i32 to vector<16xi32>
      %add3A_95 = arith.addi %mul3A_57, %add3A_94 : vector<16xi32>
      %gather3A_96 = tpu.vector_load_idx %arg5[%add3A_95] : memref<40000xf32, #tpu.memory_space<vmem>>[vector<16xi32>], vector<16xf32>,
      %swap3A_97 = arith.constant 2 : i32
      %swap3A_98 = arith.index_cast %swap3A_97 : i32 to index
      %swap3A_99 = arith.index_cast %add3A_53 : i32 to index
      %swap3A_100 = tpu.vector_load %arg11[%swap3A_98, %swap3A_99] {strides = array<i32>} : memref<8x4000xf32, #tpu.memory_space<vmem>>, vector<16xf32>,
      tpu.vector_store %arg11[%swap3A_98, %swap3A_99], %gather3A_96 {strides = array<i32>} : memref<8x4000xf32, #tpu.memory_space<vmem>>, vector<16xf32>,
      %add3A_101 = arith.constant 2 : i32
      %add3A_102 = vector.broadcast %add3A_101 : i32 to vector<16xi32>
      %add3A_103 = arith.addi %mul3A_62, %add3A_102 : vector<16xi32>
      %gather3A_104 = tpu.vector_load_idx %arg5[%add3A_103] : memref<40000xf32, #tpu.memory_space<vmem>>[vector<16xi32>], vector<16xf32>,
      %swap3A_105 = arith.constant 6 : i32
      %swap3A_106 = arith.index_cast %swap3A_105 : i32 to index
      %swap3A_107 = arith.index_cast %add3A_53 : i32 to index
      %swap3A_108 = tpu.vector_load %arg11[%swap3A_106, %swap3A_107] {strides = array<i32>} : memref<8x4000xf32, #tpu.memory_space<vmem>>, vector<16xf32>,
      tpu.vector_store %arg11[%swap3A_106, %swap3A_107], %gather3A_104 {strides = array<i32>} : memref<8x4000xf32, #tpu.memory_space<vmem>>, vector<16xf32>,
      %add3A_109 = arith.constant 3 : i32
      %add3A_110 = vector.broadcast %add3A_109 : i32 to vector<16xi32>
      %add3A_111 = arith.addi %mul3A_57, %add3A_110 : vector<16xi32>
      %gather3A_112 = tpu.vector_load_idx %arg5[%add3A_111] : memref<40000xf32, #tpu.memory_space<vmem>>[vector<16xi32>], vector<16xf32>,
      %swap3A_113 = arith.constant 3 : i32
      %swap3A_114 = arith.index_cast %swap3A_113 : i32 to index
      %swap3A_115 = arith.index_cast %add3A_53 : i32 to index
      %swap3A_116 = tpu.vector_load %arg11[%swap3A_114, %swap3A_115] {strides = array<i32>} : memref<8x4000xf32, #tpu.memory_space<vmem>>, vector<16xf32>,
      tpu.vector_store %arg11[%swap3A_114, %swap3A_115], %gather3A_112 {strides = array<i32>} : memref<8x4000xf32, #tpu.memory_space<vmem>>, vector<16xf32>,
      %add3A_117 = arith.constant 3 : i32
      %add3A_118 = vector.broadcast %add3A_117 : i32 to vector<16xi32>
      %add3A_119 = arith.addi %mul3A_62, %add3A_118 : vector<16xi32>
      %gather3A_120 = tpu.vector_load_idx %arg5[%add3A_119] : memref<40000xf32, #tpu.memory_space<vmem>>[vector<16xi32>], vector<16xf32>,
      %swap3A_121 = arith.constant 7 : i32
      %swap3A_122 = arith.index_cast %swap3A_121 : i32 to index
      %swap3A_123 = arith.index_cast %add3A_53 : i32 to index
      %swap3A_124 = tpu.vector_load %arg11[%swap3A_122, %swap3A_123] {strides = array<i32>} : memref<8x4000xf32, #tpu.memory_space<vmem>>, vector<16xf32>,
      tpu.vector_store %arg11[%swap3A_122, %swap3A_123], %gather3A_120 {strides = array<i32>} : memref<8x4000xf32, #tpu.memory_space<vmem>>, vector<16xf32>,
    }
    %scan3A_26 = arith.constant 250 : i32
    %sub3A = arith.constant 40 : i32
    %sub3A_27 = arith.subi %add3A_2, %sub3A : i32
    %dma_start3A_28 = arith.constant 0 : i32
    %dma_start3A_29 = arith.constant 0 : i32
    %dma_start3A_30 = tpu.memref_slice %arg4[%sub3A_27, %dma_start3A_28, %dma_start3A_29] : memref<40x8x4000xf32, #tpu.memory_space<hbm>> -> memref<1x8x4000xf32, #tpu.memory_space<hbm>>
    %dma_start3A_31 = tpu.memref_squeeze %dma_start3A_30 : memref<1x8x4000xf32, #tpu.memory_space<hbm>> -> memref<8x4000xf32, #tpu.memory_space<hbm>>
    %dma_start3A_32 = arith.constant 0 : i32
    %dma_start3A_33 = arith.constant 0 : i32
    %dma_start3A_34 = tpu.memref_slice %arg4[%sub3A_27, %dma_start3A_32, %dma_start3A_33] : memref<40x8x4000xf32, #tpu.memory_space<hbm>> -> memref<1x8x4000xf32, #tpu.memory_space<hbm>>
    %dma_start3A_35 = tpu.memref_squeeze %dma_start3A_34 : memref<1x8x4000xf32, #tpu.memory_space<hbm>> -> memref<8x4000xf32, #tpu.memory_space<hbm>>
    tpu.enqueue_dma source(%arg11 : memref<8x4000xf32, #tpu.memory_space<vmem>>) target(%dma_start3A_35 : memref<8x4000xf32, #tpu.memory_space<hbm>>) target_semaphore(%arg16 : memref<!tpu.dma_semaphore, #tpu.memory_space<semaphore_mem>>)
    %lt3A_36 = arith.constant 8 : i32
    %lt3A_37 = arith.cmpi slt, %add3A, %lt3A_36 : i32
    %convert_element_type3A_38 = arith.extui %lt3A_37 : i1 to i32
    %cond3A_39 = arith.constant 0 : i32
    %cond3A_40 = arith.cmpi ne, %convert_element_type3A_38, %cond3A_39 : i32
    scf.if %cond3A_40 {
      %mul3A_49 = arith.constant 4000 : i32
      %mul3A_50 = arith.muli %add3A_4, %mul3A_49 : i32
      %dma_wait3A_51 = tpu.memref_slice %arg3[%mul3A_50] : memref<640000xi32, #tpu.memory_space<hbm>> -> memref<4000xi32, #tpu.memory_space<hbm>>
      %dma_wait3A_52 = tpu.memref_slice %arg3[%mul3A_50] : memref<640000xi32, #tpu.memory_space<hbm>> -> memref<4000xi32, #tpu.memory_space<hbm>>
      tpu.wait_dma2 semaphore(%arg15 : memref<!tpu.dma_semaphore, #tpu.memory_space<semaphore_mem>>) src(%dma_wait3A_52 : memref<4000xi32, #tpu.memory_space<hbm>>) dst(%arg9 : memref<4000xi32, #tpu.memory_space<vmem>>)
      %mul3A_53 = arith.constant 4000 : i32
      %mul3A_54 = arith.muli %add3A_4, %mul3A_53 : i32
      %add3A_55 = arith.constant 320000 : i32
      %add3A_56 = arith.addi %add3A_55, %mul3A_54 : i32
      %dma_wait3A_57 = tpu.memref_slice %arg3[%add3A_56] : memref<640000xi32, #tpu.memory_space<hbm>> -> memref<4000xi32, #tpu.memory_space<hbm>>
      %dma_wait3A_58 = tpu.memref_slice %arg3[%add3A_56] : memref<640000xi32, #tpu.memory_space<hbm>> -> memref<4000xi32, #tpu.memory_space<hbm>>
      tpu.wait_dma2 semaphore(%arg15 : memref<!tpu.dma_semaphore, #tpu.memory_space<semaphore_mem>>) src(%dma_wait3A_58 : memref<4000xi32, #tpu.memory_space<hbm>>) dst(%arg10 : memref<4000xi32, #tpu.memory_space<vmem>>)
      %scan3A_59 = arith.constant 0 : i32
      %scan3A_60 = arith.constant 250 : i32
      %scan3A_61 = arith.addi %scan3A_59, %scan3A_60 : i32
      %scan3A_62 = arith.constant 1 : i32
      scf.for %scan3A_82 = %scan3A_59 to %scan3A_61 step %scan3A_62  : i32 {
        %mul3A_83 = arith.constant 16 : i32
        %mul3A_84 = arith.muli %scan3A_82, %mul3A_83 : i32
        %add3A_85 = arith.constant 0 : i32
        %add3A_86 = arith.addi %add3A_85, %mul3A_84 : i32
        %get3A = arith.index_cast %add3A_86 : i32 to index
        %get3A_87 = tpu.vector_load %arg9[%get3A] {strides = array<i32>} : memref<4000xi32, #tpu.memory_space<vmem>>, vector<16xi32>,
        %mul3A_88 = arith.constant 4 : i32
        %mul3A_89 = vector.broadcast %mul3A_88 : i32 to vector<16xi32>
        %mul3A_90 = arith.muli %get3A_87, %mul3A_89 : vector<16xi32>
        %get3A_91 = arith.index_cast %add3A_86 : i32 to index
        %get3A_92 = tpu.vector_load %arg10[%get3A_91] {strides = array<i32>} : memref<4000xi32, #tpu.memory_space<vmem>>, vector<16xi32>,
        %mul3A_93 = arith.constant 4 : i32
        %mul3A_94 = vector.broadcast %mul3A_93 : i32 to vector<16xi32>
        %mul3A_95 = arith.muli %get3A_92, %mul3A_94 : vector<16xi32>
        %add3A_96 = arith.constant 0 : i32
        %add3A_97 = vector.broadcast %add3A_96 : i32 to vector<16xi32>
        %add3A_98 = arith.addi %mul3A_90, %add3A_97 : vector<16xi32>
        %gather3A = tpu.vector_load_idx %arg5[%add3A_98] : memref<40000xf32, #tpu.memory_space<vmem>>[vector<16xi32>], vector<16xf32>,
        %swap3A = arith.constant 0 : i32
        %swap3A_99 = arith.index_cast %swap3A : i32 to index
        %swap3A_100 = arith.index_cast %add3A_86 : i32 to index
        %swap3A_101 = tpu.vector_load %arg12[%swap3A_99, %swap3A_100] {strides = array<i32>} : memref<8x4000xf32, #tpu.memory_space<vmem>>, vector<16xf32>,
        tpu.vector_store %arg12[%swap3A_99, %swap3A_100], %gather3A {strides = array<i32>} : memref<8x4000xf32, #tpu.memory_space<vmem>>, vector<16xf32>,
        %add3A_102 = arith.constant 0 : i32
        %add3A_103 = vector.broadcast %add3A_102 : i32 to vector<16xi32>
        %add3A_104 = arith.addi %mul3A_95, %add3A_103 : vector<16xi32>
        %gather3A_105 = tpu.vector_load_idx %arg5[%add3A_104] : memref<40000xf32, #tpu.memory_space<vmem>>[vector<16xi32>], vector<16xf32>,
        %swap3A_106 = arith.constant 4 : i32
        %swap3A_107 = arith.index_cast %swap3A_106 : i32 to index
        %swap3A_108 = arith.index_cast %add3A_86 : i32 to index
        %swap3A_109 = tpu.vector_load %arg12[%swap3A_107, %swap3A_108] {strides = array<i32>} : memref<8x4000xf32, #tpu.memory_space<vmem>>, vector<16xf32>,
        tpu.vector_store %arg12[%swap3A_107, %swap3A_108], %gather3A_105 {strides = array<i32>} : memref<8x4000xf32, #tpu.memory_space<vmem>>, vector<16xf32>,
        %add3A_110 = arith.constant 1 : i32
        %add3A_111 = vector.broadcast %add3A_110 : i32 to vector<16xi32>
        %add3A_112 = arith.addi %mul3A_90, %add3A_111 : vector<16xi32>
        %gather3A_113 = tpu.vector_load_idx %arg5[%add3A_112] : memref<40000xf32, #tpu.memory_space<vmem>>[vector<16xi32>], vector<16xf32>,
        %swap3A_114 = arith.constant 1 : i32
        %swap3A_115 = arith.index_cast %swap3A_114 : i32 to index
        %swap3A_116 = arith.index_cast %add3A_86 : i32 to index
        %swap3A_117 = tpu.vector_load %arg12[%swap3A_115, %swap3A_116] {strides = array<i32>} : memref<8x4000xf32, #tpu.memory_space<vmem>>, vector<16xf32>,
        tpu.vector_store %arg12[%swap3A_115, %swap3A_116], %gather3A_113 {strides = array<i32>} : memref<8x4000xf32, #tpu.memory_space<vmem>>, vector<16xf32>,
        %add3A_118 = arith.constant 1 : i32
        %add3A_119 = vector.broadcast %add3A_118 : i32 to vector<16xi32>
        %add3A_120 = arith.addi %mul3A_95, %add3A_119 : vector<16xi32>
        %gather3A_121 = tpu.vector_load_idx %arg5[%add3A_120] : memref<40000xf32, #tpu.memory_space<vmem>>[vector<16xi32>], vector<16xf32>,
        %swap3A_122 = arith.constant 5 : i32
        %swap3A_123 = arith.index_cast %swap3A_122 : i32 to index
        %swap3A_124 = arith.index_cast %add3A_86 : i32 to index
        %swap3A_125 = tpu.vector_load %arg12[%swap3A_123, %swap3A_124] {strides = array<i32>} : memref<8x4000xf32, #tpu.memory_space<vmem>>, vector<16xf32>,
        tpu.vector_store %arg12[%swap3A_123, %swap3A_124], %gather3A_121 {strides = array<i32>} : memref<8x4000xf32, #tpu.memory_space<vmem>>, vector<16xf32>,
        %add3A_126 = arith.constant 2 : i32
        %add3A_127 = vector.broadcast %add3A_126 : i32 to vector<16xi32>
        %add3A_128 = arith.addi %mul3A_90, %add3A_127 : vector<16xi32>
        %gather3A_129 = tpu.vector_load_idx %arg5[%add3A_128] : memref<40000xf32, #tpu.memory_space<vmem>>[vector<16xi32>], vector<16xf32>,
        %swap3A_130 = arith.constant 2 : i32
        %swap3A_131 = arith.index_cast %swap3A_130 : i32 to index
        %swap3A_132 = arith.index_cast %add3A_86 : i32 to index
        %swap3A_133 = tpu.vector_load %arg12[%swap3A_131, %swap3A_132] {strides = array<i32>} : memref<8x4000xf32, #tpu.memory_space<vmem>>, vector<16xf32>,
        tpu.vector_store %arg12[%swap3A_131, %swap3A_132], %gather3A_129 {strides = array<i32>} : memref<8x4000xf32, #tpu.memory_space<vmem>>, vector<16xf32>,
        %add3A_134 = arith.constant 2 : i32
        %add3A_135 = vector.broadcast %add3A_134 : i32 to vector<16xi32>
        %add3A_136 = arith.addi %mul3A_95, %add3A_135 : vector<16xi32>
        %gather3A_137 = tpu.vector_load_idx %arg5[%add3A_136] : memref<40000xf32, #tpu.memory_space<vmem>>[vector<16xi32>], vector<16xf32>,
        %swap3A_138 = arith.constant 6 : i32
        %swap3A_139 = arith.index_cast %swap3A_138 : i32 to index
        %swap3A_140 = arith.index_cast %add3A_86 : i32 to index
        %swap3A_141 = tpu.vector_load %arg12[%swap3A_139, %swap3A_140] {strides = array<i32>} : memref<8x4000xf32, #tpu.memory_space<vmem>>, vector<16xf32>,
        tpu.vector_store %arg12[%swap3A_139, %swap3A_140], %gather3A_137 {strides = array<i32>} : memref<8x4000xf32, #tpu.memory_space<vmem>>, vector<16xf32>,
        %add3A_142 = arith.constant 3 : i32
        %add3A_143 = vector.broadcast %add3A_142 : i32 to vector<16xi32>
        %add3A_144 = arith.addi %mul3A_90, %add3A_143 : vector<16xi32>
        %gather3A_145 = tpu.vector_load_idx %arg5[%add3A_144] : memref<40000xf32, #tpu.memory_space<vmem>>[vector<16xi32>], vector<16xf32>,
        %swap3A_146 = arith.constant 3 : i32
        %swap3A_147 = arith.index_cast %swap3A_146 : i32 to index
        %swap3A_148 = arith.index_cast %add3A_86 : i32 to index
        %swap3A_149 = tpu.vector_load %arg12[%swap3A_147, %swap3A_148] {strides = array<i32>} : memref<8x4000xf32, #tpu.memory_space<vmem>>, vector<16xf32>,
        tpu.vector_store %arg12[%swap3A_147, %swap3A_148], %gather3A_145 {strides = array<i32>} : memref<8x4000xf32, #tpu.memory_space<vmem>>, vector<16xf32>,
        %add3A_150 = arith.constant 3 : i32
        %add3A_151 = vector.broadcast %add3A_150 : i32 to vector<16xi32>
        %add3A_152 = arith.addi %mul3A_95, %add3A_151 : vector<16xi32>
        %gather3A_153 = tpu.vector_load_idx %arg5[%add3A_152] : memref<40000xf32, #tpu.memory_space<vmem>>[vector<16xi32>], vector<16xf32>,
        %swap3A_154 = arith.constant 7 : i32
        %swap3A_155 = arith.index_cast %swap3A_154 : i32 to index
        %swap3A_156 = arith.index_cast %add3A_86 : i32 to index
        %swap3A_157 = tpu.vector_load %arg12[%swap3A_155, %swap3A_156] {strides = array<i32>} : memref<8x4000xf32, #tpu.memory_space<vmem>>, vector<16xf32>,
        tpu.vector_store %arg12[%swap3A_155, %swap3A_156], %gather3A_153 {strides = array<i32>} : memref<8x4000xf32, #tpu.memory_space<vmem>>, vector<16xf32>,
      }
      %scan3A_63 = arith.constant 250 : i32
      %sub3A_64 = arith.constant 40 : i32
      %sub3A_65 = arith.subi %add3A_4, %sub3A_64 : i32
      %dma_start3A_66 = arith.constant 0 : i32
      %dma_start3A_67 = arith.constant 0 : i32
      %dma_start3A_68 = tpu.memref_slice %arg4[%sub3A_65, %dma_start3A_66, %dma_start3A_67] : memref<40x8x4000xf32, #tpu.memory_space<hbm>> -> memref<1x8x4000xf32, #tpu.memory_space<hbm>>
      %dma_start3A_69 = tpu.memref_squeeze %dma_start3A_68 : memref<1x8x4000xf32, #tpu.memory_space<hbm>> -> memref<8x4000xf32, #tpu.memory_space<hbm>>
      %dma_start3A_70 = arith.constant 0 : i32
      %dma_start3A_71 = arith.constant 0 : i32
      %dma_start3A_72 = tpu.memref_slice %arg4[%sub3A_65, %dma_start3A_70, %dma_start3A_71] : memref<40x8x4000xf32, #tpu.memory_space<hbm>> -> memref<1x8x4000xf32, #tpu.memory_space<hbm>>
      %dma_start3A_73 = tpu.memref_squeeze %dma_start3A_72 : memref<1x8x4000xf32, #tpu.memory_space<hbm>> -> memref<8x4000xf32, #tpu.memory_space<hbm>>
      tpu.enqueue_dma source(%arg12 : memref<8x4000xf32, #tpu.memory_space<vmem>>) target(%dma_start3A_73 : memref<8x4000xf32, #tpu.memory_space<hbm>>) target_semaphore(%arg17 : memref<!tpu.dma_semaphore, #tpu.memory_space<semaphore_mem>>)
      %dma_wait3A_74 = arith.constant 0 : i32
      %dma_wait3A_75 = arith.constant 0 : i32
      %dma_wait3A_76 = tpu.memref_slice %arg4[%sub3A_65, %dma_wait3A_74, %dma_wait3A_75] : memref<40x8x4000xf32, #tpu.memory_space<hbm>> -> memref<1x8x4000xf32, #tpu.memory_space<hbm>>
      %dma_wait3A_77 = tpu.memref_squeeze %dma_wait3A_76 : memref<1x8x4000xf32, #tpu.memory_space<hbm>> -> memref<8x4000xf32, #tpu.memory_space<hbm>>
      %dma_wait3A_78 = arith.constant 0 : i32
      %dma_wait3A_79 = arith.constant 0 : i32
      %dma_wait3A_80 = tpu.memref_slice %arg4[%sub3A_65, %dma_wait3A_78, %dma_wait3A_79] : memref<40x8x4000xf32, #tpu.memory_space<hbm>> -> memref<1x8x4000xf32, #tpu.memory_space<hbm>>
      %dma_wait3A_81 = tpu.memref_squeeze %dma_wait3A_80 : memref<1x8x4000xf32, #tpu.memory_space<hbm>> -> memref<8x4000xf32, #tpu.memory_space<hbm>>
      tpu.wait_dma2 semaphore(%arg17 : memref<!tpu.dma_semaphore, #tpu.memory_space<semaphore_mem>>) src(%arg12 : memref<8x4000xf32, #tpu.memory_space<vmem>>) dst(%dma_wait3A_81 : memref<8x4000xf32, #tpu.memory_space<hbm>>)
    } else {
    }
    %dma_wait3A_41 = arith.constant 0 : i32
    %dma_wait3A_42 = arith.constant 0 : i32
    %dma_wait3A_43 = tpu.memref_slice %arg4[%sub3A_27, %dma_wait3A_41, %dma_wait3A_42] : memref<40x8x4000xf32, #tpu.memory_space<hbm>> -> memref<1x8x4000xf32, #tpu.memory_space<hbm>>
    %dma_wait3A_44 = tpu.memref_squeeze %dma_wait3A_43 : memref<1x8x4000xf32, #tpu.memory_space<hbm>> -> memref<8x4000xf32, #tpu.memory_space<hbm>>
    %dma_wait3A_45 = arith.constant 0 : i32
    %dma_wait3A_46 = arith.constant 0 : i32
    %dma_wait3A_47 = tpu.memref_slice %arg4[%sub3A_27, %dma_wait3A_45, %dma_wait3A_46] : memref<40x8x4000xf32, #tpu.memory_space<hbm>> -> memref<1x8x4000xf32, #tpu.memory_space<hbm>>
    %dma_wait3A_48 = tpu.memref_squeeze %dma_wait3A_47 : memref<1x8x4000xf32, #tpu.memory_space<hbm>> -> memref<8x4000xf32, #tpu.memory_space<hbm>>
    tpu.wait_dma2 semaphore(%arg16 : memref<!tpu.dma_semaphore, #tpu.memory_space<semaphore_mem>>) src(%arg11 : memref<8x4000xf32, #tpu.memory_space<vmem>>) dst(%dma_wait3A_48 : memref<8x4000xf32, #tpu.memory_space<hbm>>)
    return
  }
}

#map = affine_map<(d0, d1) -> (0)>
#map1 = affine_map<(d0, d1) -> (0, 0, 0)>
module attributes {stable_mosaic.version = 14 : i64} {
  func.func @k(%arg0: i32, %arg1: i32, %arg2: memref<40000xf32, #tpu.memory_space<hbm>>, %arg3: memref<640000xi32, #tpu.memory_space<hbm>>, %arg4: memref<40x8x4000xf32, #tpu.memory_space<hbm>>, %arg5: memref<40000xf32, #tpu.memory_space<vmem>>, %arg6: memref<40000xf32, #tpu.memory_space<vmem_shared>>, %arg7: memref<4000xi32, #tpu.memory_space<vmem>>, %arg8: memref<4000xi32, #tpu.memory_space<vmem>>, %arg9: memref<4000xi32, #tpu.memory_space<vmem>>, %arg10: memref<4000xi32, #tpu.memory_space<vmem>>, %arg11: memref<8x4000xf32, #tpu.memory_space<vmem>>, %arg12: memref<8x4000xf32, #tpu.memory_space<vmem>>, %arg13: memref<!tpu.dma_semaphore, #tpu.memory_space<semaphore_mem>>, %arg14: memref<!tpu.dma_semaphore, #tpu.memory_space<semaphore_mem>>, %arg15: memref<!tpu.dma_semaphore, #tpu.memory_space<semaphore_mem>>, %arg16: memref<!tpu.dma_semaphore, #tpu.memory_space<semaphore_mem>>, %arg17: memref<!tpu.dma_semaphore, #tpu.memory_space<semaphore_mem>>) attributes {dimension_semantics = [#tpu.dimension_semantics<core_parallel>, #tpu.dimension_semantics<subcore_parallel>], iteration_bounds = array<i64: 2, 16>, scalar_prefetch = 0 : i64, scratch_operands = 13 : i64, tpu.core_type = #tpu.core_type<sc_vector_subcore>, window_params = [{transform_indices = #map}, {transform_indices = #map}, {transform_indices = #map1}]} {
    %mul3A = arith.constant 2 : i32
    %mul3A_0 = arith.muli %arg1, %mul3A : i32
    %add3A = arith.addi %mul3A_0, %arg0 : i32
    %add3A_1 = arith.constant 0 : i32
    %add3A_2 = arith.addi %add3A_1, %add3A : i32
    %add3A_3 = arith.constant 32 : i32
    %add3A_4 = arith.addi %add3A_3, %add3A : i32
    %eq3A = arith.constant 0 : i32
    %eq3A_5 = arith.cmpi eq, %arg1, %eq3A : i32
    %convert_element_type3A = arith.extui %eq3A_5 : i1 to i32
    %cond3A = arith.constant 0 : i32
    %cond3A_6 = arith.cmpi ne, %convert_element_type3A, %cond3A : i32
    scf.if %cond3A_6 {
      tpu.enqueue_dma source(%arg2 : memref<40000xf32, #tpu.memory_space<hbm>>) target(%arg6 : memref<40000xf32, #tpu.memory_space<vmem_shared>>) target_semaphore(%arg13 : memref<!tpu.dma_semaphore, #tpu.memory_space<semaphore_mem>>)
      tpu.wait_dma2 semaphore(%arg13 : memref<!tpu.dma_semaphore, #tpu.memory_space<semaphore_mem>>) src(%arg2 : memref<40000xf32, #tpu.memory_space<hbm>>) dst(%arg6 : memref<40000xf32, #tpu.memory_space<vmem_shared>>)
    } else {
    }
    %mul3A_7 = arith.constant 4000 : i32
    %mul3A_8 = arith.muli %add3A_2, %mul3A_7 : i32
    %dma_start3A = tpu.memref_slice %arg3[%mul3A_8] : memref<640000xi32, #tpu.memory_space<hbm>> -> memref<4000xi32, #tpu.memory_space<hbm>>
    %dma_start3A_9 = tpu.memref_slice %arg3[%mul3A_8] : memref<640000xi32, #tpu.memory_space<hbm>> -> memref<4000xi32, #tpu.memory_space<hbm>>
    tpu.enqueue_dma source(%dma_start3A_9 : memref<4000xi32, #tpu.memory_space<hbm>>) target(%arg7 : memref<4000xi32, #tpu.memory_space<vmem>>) target_semaphore(%arg14 : memref<!tpu.dma_semaphore, #tpu.memory_space<semaphore_mem>>)
    %mul3A_10 = arith.constant 4000 : i32
    %mul3A_11 = arith.muli %add3A_2, %mul3A_10 : i32
    %add3A_12 = arith.constant 320000 : i32
    %add3A_13 = arith.addi %add3A_12, %mul3A_11 : i32
    %dma_start3A_14 = tpu.memref_slice %arg3[%add3A_13] : memref<640000xi32, #tpu.memory_space<hbm>> -> memref<4000xi32, #tpu.memory_space<hbm>>
    %dma_start3A_15 = tpu.memref_slice %arg3[%add3A_13] : memref<640000xi32, #tpu.memory_space<hbm>> -> memref<4000xi32, #tpu.memory_space<hbm>>
    tpu.enqueue_dma source(%dma_start3A_15 : memref<4000xi32, #tpu.memory_space<hbm>>) target(%arg8 : memref<4000xi32, #tpu.memory_space<vmem>>) target_semaphore(%arg14 : memref<!tpu.dma_semaphore, #tpu.memory_space<semaphore_mem>>)
    %lt3A = arith.constant 8 : i32
    %lt3A_16 = arith.cmpi slt, %add3A, %lt3A : i32
    %convert_element_type3A_17 = arith.extui %lt3A_16 : i1 to i32
    %cond3A_18 = arith.constant 0 : i32
    %cond3A_19 = arith.cmpi ne, %convert_element_type3A_17, %cond3A_18 : i32
    scf.if %cond3A_19 {
      %mul3A_49 = arith.constant 4000 : i32
      %mul3A_50 = arith.muli %add3A_4, %mul3A_49 : i32
      %dma_start3A_51 = tpu.memref_slice %arg3[%mul3A_50] : memref<640000xi32, #tpu.memory_space<hbm>> -> memref<4000xi32, #tpu.memory_space<hbm>>
      %dma_start3A_52 = tpu.memref_slice %arg3[%mul3A_50] : memref<640000xi32, #tpu.memory_space<hbm>> -> memref<4000xi32, #tpu.memory_space<hbm>>
      tpu.enqueue_dma source(%dma_start3A_52 : memref<4000xi32, #tpu.memory_space<hbm>>) target(%arg9 : memref<4000xi32, #tpu.memory_space<vmem>>) target_semaphore(%arg15 : memref<!tpu.dma_semaphore, #tpu.memory_space<semaphore_mem>>)
      %mul3A_53 = arith.constant 4000 : i32
      %mul3A_54 = arith.muli %add3A_4, %mul3A_53 : i32
      %add3A_55 = arith.constant 320000 : i32
      %add3A_56 = arith.addi %add3A_55, %mul3A_54 : i32
      %dma_start3A_57 = tpu.memref_slice %arg3[%add3A_56] : memref<640000xi32, #tpu.memory_space<hbm>> -> memref<4000xi32, #tpu.memory_space<hbm>>
      %dma_start3A_58 = tpu.memref_slice %arg3[%add3A_56] : memref<640000xi32, #tpu.memory_space<hbm>> -> memref<4000xi32, #tpu.memory_space<hbm>>
      tpu.enqueue_dma source(%dma_start3A_58 : memref<4000xi32, #tpu.memory_space<hbm>>) target(%arg10 : memref<4000xi32, #tpu.memory_space<vmem>>) target_semaphore(%arg15 : memref<!tpu.dma_semaphore, #tpu.memory_space<semaphore_mem>>)
    } else {
    }
    %barrier3A = arith.constant 0 : index
    tpu.barrier barrier_id(%barrier3A)
    "tpu.region"() ({
      %run_scoped3A = tpu.sem_alloc : memref<!tpu.dma_semaphore, #tpu.memory_space<semaphore_mem>>
      tpu.enqueue_dma source(%arg6 : memref<40000xf32, #tpu.memory_space<vmem_shared>>) target(%arg5 : memref<40000xf32, #tpu.memory_space<vmem>>) target_semaphore(%run_scoped3A : memref<!tpu.dma_semaphore, #tpu.memory_space<semaphore_mem>>)
      tpu.wait_dma2 semaphore(%run_scoped3A : memref<!tpu.dma_semaphore, #tpu.memory_space<semaphore_mem>>) src(%arg6 : memref<40000xf32, #tpu.memory_space<vmem_shared>>) dst(%arg5 : memref<40000xf32, #tpu.memory_space<vmem>>)
      tpu.yield
    }) : () -> ()
    %dma_wait3A = tpu.memref_slice %arg3[%mul3A_8] : memref<640000xi32, #tpu.memory_space<hbm>> -> memref<4000xi32, #tpu.memory_space<hbm>>
    %dma_wait3A_20 = tpu.memref_slice %arg3[%mul3A_8] : memref<640000xi32, #tpu.memory_space<hbm>> -> memref<4000xi32, #tpu.memory_space<hbm>>
    tpu.wait_dma2 semaphore(%arg14 : memref<!tpu.dma_semaphore, #tpu.memory_space<semaphore_mem>>) src(%dma_wait3A_20 : memref<4000xi32, #tpu.memory_space<hbm>>) dst(%arg7 : memref<4000xi32, #tpu.memory_space<vmem>>)
    %dma_wait3A_21 = tpu.memref_slice %arg3[%add3A_13] : memref<640000xi32, #tpu.memory_space<hbm>> -> memref<4000xi32, #tpu.memory_space<hbm>>
    %dma_wait3A_22 = tpu.memref_slice %arg3[%add3A_13] : memref<640000xi32, #tpu.memory_space<hbm>> -> memref<4000xi32, #tpu.memory_space<hbm>>
    tpu.wait_dma2 semaphore(%arg14 : memref<!tpu.dma_semaphore, #tpu.memory_space<semaphore_mem>>) src(%dma_wait3A_22 : memref<4000xi32, #tpu.memory_space<hbm>>) dst(%arg8 : memref<4000xi32, #tpu.memory_space<vmem>>)
    %scan3A = arith.constant 0 : i32
    %scan3A_23 = arith.constant 250 : i32
    %scan3A_24 = arith.addi %scan3A, %scan3A_23 : i32
    %scan3A_25 = arith.constant 1 : i32
    scf.for %scan3A_49 = %scan3A to %scan3A_24 step %scan3A_25  : i32 {
      %mul3A_50 = arith.constant 16 : i32
      %mul3A_51 = arith.muli %scan3A_49, %mul3A_50 : i32
      %add3A_52 = arith.constant 0 : i32
      %add3A_53 = arith.addi %add3A_52, %mul3A_51 : i32
      %get3A = arith.index_cast %add3A_53 : i32 to index
      %get3A_54 = tpu.vector_load %arg7[%get3A] {strides = array<i32>} : memref<4000xi32, #tpu.memory_space<vmem>>, vector<16xi32>,
      %mul3A_55 = arith.constant 4 : i32
      %mul3A_56 = vector.broadcast %mul3A_55 : i32 to vector<16xi32>
      %mul3A_57 = arith.muli %get3A_54, %mul3A_56 : vector<16xi32>
      %get3A_58 = arith.index_cast %add3A_53 : i32 to index
      %get3A_59 = tpu.vector_load %arg8[%get3A_58] {strides = array<i32>} : memref<4000xi32, #tpu.memory_space<vmem>>, vector<16xi32>,
      %mul3A_60 = arith.constant 4 : i32
      %mul3A_61 = vector.broadcast %mul3A_60 : i32 to vector<16xi32>
      %mul3A_62 = arith.muli %get3A_59, %mul3A_61 : vector<16xi32>
      %add3A_63 = arith.constant 0 : i32
      %add3A_64 = vector.broadcast %add3A_63 : i32 to vector<16xi32>
      %add3A_65 = arith.addi %mul3A_57, %add3A_64 : vector<16xi32>
      %gather3A = tpu.vector_load_idx %arg5[%add3A_65] : memref<40000xf32, #tpu.memory_space<vmem>>[vector<16xi32>], vector<16xf32>,
      %swap3A = arith.constant 0 : i32
      %swap3A_66 = arith.index_cast %swap3A : i32 to index
      %swap3A_67 = arith.index_cast %add3A_53 : i32 to index
      %swap3A_68 = tpu.vector_load %arg11[%swap3A_66, %swap3A_67] {strides = array<i32>} : memref<8x4000xf32, #tpu.memory_space<vmem>>, vector<16xf32>,
      tpu.vector_store %arg11[%swap3A_66, %swap3A_67], %gather3A {strides = array<i32>} : memref<8x4000xf32, #tpu.memory_space<vmem>>, vector<16xf32>,
      %add3A_69 = arith.constant 0 : i32
      %add3A_70 = vector.broadcast %add3A_69 : i32 to vector<16xi32>
      %add3A_71 = arith.addi %mul3A_62, %add3A_70 : vector<16xi32>
      %gather3A_72 = tpu.vector_load_idx %arg5[%add3A_71] : memref<40000xf32, #tpu.memory_space<vmem>>[vector<16xi32>], vector<16xf32>,
      %swap3A_73 = arith.constant 4 : i32
      %swap3A_74 = arith.index_cast %swap3A_73 : i32 to index
      %swap3A_75 = arith.index_cast %add3A_53 : i32 to index
      %swap3A_76 = tpu.vector_load %arg11[%swap3A_74, %swap3A_75] {strides = array<i32>} : memref<8x4000xf32, #tpu.memory_space<vmem>>, vector<16xf32>,
      tpu.vector_store %arg11[%swap3A_74, %swap3A_75], %gather3A_72 {strides = array<i32>} : memref<8x4000xf32, #tpu.memory_space<vmem>>, vector<16xf32>,
      %add3A_77 = arith.constant 1 : i32
      %add3A_78 = vector.broadcast %add3A_77 : i32 to vector<16xi32>
      %add3A_79 = arith.addi %mul3A_57, %add3A_78 : vector<16xi32>
      %gather3A_80 = tpu.vector_load_idx %arg5[%add3A_79] : memref<40000xf32, #tpu.memory_space<vmem>>[vector<16xi32>], vector<16xf32>,
      %swap3A_81 = arith.constant 1 : i32
      %swap3A_82 = arith.index_cast %swap3A_81 : i32 to index
      %swap3A_83 = arith.index_cast %add3A_53 : i32 to index
      %swap3A_84 = tpu.vector_load %arg11[%swap3A_82, %swap3A_83] {strides = array<i32>} : memref<8x4000xf32, #tpu.memory_space<vmem>>, vector<16xf32>,
      tpu.vector_store %arg11[%swap3A_82, %swap3A_83], %gather3A_80 {strides = array<i32>} : memref<8x4000xf32, #tpu.memory_space<vmem>>, vector<16xf32>,
      %add3A_85 = arith.constant 1 : i32
      %add3A_86 = vector.broadcast %add3A_85 : i32 to vector<16xi32>
      %add3A_87 = arith.addi %mul3A_62, %add3A_86 : vector<16xi32>
      %gather3A_88 = tpu.vector_load_idx %arg5[%add3A_87] : memref<40000xf32, #tpu.memory_space<vmem>>[vector<16xi32>], vector<16xf32>,
      %swap3A_89 = arith.constant 5 : i32
      %swap3A_90 = arith.index_cast %swap3A_89 : i32 to index
      %swap3A_91 = arith.index_cast %add3A_53 : i32 to index
      %swap3A_92 = tpu.vector_load %arg11[%swap3A_90, %swap3A_91] {strides = array<i32>} : memref<8x4000xf32, #tpu.memory_space<vmem>>, vector<16xf32>,
      tpu.vector_store %arg11[%swap3A_90, %swap3A_91], %gather3A_88 {strides = array<i32>} : memref<8x4000xf32, #tpu.memory_space<vmem>>, vector<16xf32>,
      %add3A_93 = arith.constant 2 : i32
      %add3A_94 = vector.broadcast %add3A_93 : i32 to vector<16xi32>
      %add3A_95 = arith.addi %mul3A_57, %add3A_94 : vector<16xi32>
      %gather3A_96 = tpu.vector_load_idx %arg5[%add3A_95] : memref<40000xf32, #tpu.memory_space<vmem>>[vector<16xi32>], vector<16xf32>,
      %swap3A_97 = arith.constant 2 : i32
      %swap3A_98 = arith.index_cast %swap3A_97 : i32 to index
      %swap3A_99 = arith.index_cast %add3A_53 : i32 to index
      %swap3A_100 = tpu.vector_load %arg11[%swap3A_98, %swap3A_99] {strides = array<i32>} : memref<8x4000xf32, #tpu.memory_space<vmem>>, vector<16xf32>,
      tpu.vector_store %arg11[%swap3A_98, %swap3A_99], %gather3A_96 {strides = array<i32>} : memref<8x4000xf32, #tpu.memory_space<vmem>>, vector<16xf32>,
      %add3A_101 = arith.constant 2 : i32
      %add3A_102 = vector.broadcast %add3A_101 : i32 to vector<16xi32>
      %add3A_103 = arith.addi %mul3A_62, %add3A_102 : vector<16xi32>
      %gather3A_104 = tpu.vector_load_idx %arg5[%add3A_103] : memref<40000xf32, #tpu.memory_space<vmem>>[vector<16xi32>], vector<16xf32>,
      %swap3A_105 = arith.constant 6 : i32
      %swap3A_106 = arith.index_cast %swap3A_105 : i32 to index
      %swap3A_107 = arith.index_cast %add3A_53 : i32 to index
      %swap3A_108 = tpu.vector_load %arg11[%swap3A_106, %swap3A_107] {strides = array<i32>} : memref<8x4000xf32, #tpu.memory_space<vmem>>, vector<16xf32>,
      tpu.vector_store %arg11[%swap3A_106, %swap3A_107], %gather3A_104 {strides = array<i32>} : memref<8x4000xf32, #tpu.memory_space<vmem>>, vector<16xf32>,
      %add3A_109 = arith.constant 3 : i32
      %add3A_110 = vector.broadcast %add3A_109 : i32 to vector<16xi32>
      %add3A_111 = arith.addi %mul3A_57, %add3A_110 : vector<16xi32>
      %gather3A_112 = tpu.vector_load_idx %arg5[%add3A_111] : memref<40000xf32, #tpu.memory_space<vmem>>[vector<16xi32>], vector<16xf32>,
      %swap3A_113 = arith.constant 3 : i32
      %swap3A_114 = arith.index_cast %swap3A_113 : i32 to index
      %swap3A_115 = arith.index_cast %add3A_53 : i32 to index
      %swap3A_116 = tpu.vector_load %arg11[%swap3A_114, %swap3A_115] {strides = array<i32>} : memref<8x4000xf32, #tpu.memory_space<vmem>>, vector<16xf32>,
      tpu.vector_store %arg11[%swap3A_114, %swap3A_115], %gather3A_112 {strides = array<i32>} : memref<8x4000xf32, #tpu.memory_space<vmem>>, vector<16xf32>,
      %add3A_117 = arith.constant 3 : i32
      %add3A_118 = vector.broadcast %add3A_117 : i32 to vector<16xi32>
      %add3A_119 = arith.addi %mul3A_62, %add3A_118 : vector<16xi32>
      %gather3A_120 = tpu.vector_load_idx %arg5[%add3A_119] : memref<40000xf32, #tpu.memory_space<vmem>>[vector<16xi32>], vector<16xf32>,
      %swap3A_121 = arith.constant 7 : i32
      %swap3A_122 = arith.index_cast %swap3A_121 : i32 to index
      %swap3A_123 = arith.index_cast %add3A_53 : i32 to index
      %swap3A_124 = tpu.vector_load %arg11[%swap3A_122, %swap3A_123] {strides = array<i32>} : memref<8x4000xf32, #tpu.memory_space<vmem>>, vector<16xf32>,
      tpu.vector_store %arg11[%swap3A_122, %swap3A_123], %gather3A_120 {strides = array<i32>} : memref<8x4000xf32, #tpu.memory_space<vmem>>, vector<16xf32>,
    }
    %scan3A_26 = arith.constant 250 : i32
    %sub3A = arith.constant 0 : i32
    %sub3A_27 = arith.subi %add3A_2, %sub3A : i32
    %dma_start3A_28 = arith.constant 0 : i32
    %dma_start3A_29 = arith.constant 0 : i32
    %dma_start3A_30 = tpu.memref_slice %arg4[%sub3A_27, %dma_start3A_28, %dma_start3A_29] : memref<40x8x4000xf32, #tpu.memory_space<hbm>> -> memref<1x8x4000xf32, #tpu.memory_space<hbm>>
    %dma_start3A_31 = tpu.memref_squeeze %dma_start3A_30 : memref<1x8x4000xf32, #tpu.memory_space<hbm>> -> memref<8x4000xf32, #tpu.memory_space<hbm>>
    %dma_start3A_32 = arith.constant 0 : i32
    %dma_start3A_33 = arith.constant 0 : i32
    %dma_start3A_34 = tpu.memref_slice %arg4[%sub3A_27, %dma_start3A_32, %dma_start3A_33] : memref<40x8x4000xf32, #tpu.memory_space<hbm>> -> memref<1x8x4000xf32, #tpu.memory_space<hbm>>
    %dma_start3A_35 = tpu.memref_squeeze %dma_start3A_34 : memref<1x8x4000xf32, #tpu.memory_space<hbm>> -> memref<8x4000xf32, #tpu.memory_space<hbm>>
    tpu.enqueue_dma source(%arg11 : memref<8x4000xf32, #tpu.memory_space<vmem>>) target(%dma_start3A_35 : memref<8x4000xf32, #tpu.memory_space<hbm>>) target_semaphore(%arg16 : memref<!tpu.dma_semaphore, #tpu.memory_space<semaphore_mem>>)
    %lt3A_36 = arith.constant 8 : i32
    %lt3A_37 = arith.cmpi slt, %add3A, %lt3A_36 : i32
    %convert_element_type3A_38 = arith.extui %lt3A_37 : i1 to i32
    %cond3A_39 = arith.constant 0 : i32
    %cond3A_40 = arith.cmpi ne, %convert_element_type3A_38, %cond3A_39 : i32
    scf.if %cond3A_40 {
      %mul3A_49 = arith.constant 4000 : i32
      %mul3A_50 = arith.muli %add3A_4, %mul3A_49 : i32
      %dma_wait3A_51 = tpu.memref_slice %arg3[%mul3A_50] : memref<640000xi32, #tpu.memory_space<hbm>> -> memref<4000xi32, #tpu.memory_space<hbm>>
      %dma_wait3A_52 = tpu.memref_slice %arg3[%mul3A_50] : memref<640000xi32, #tpu.memory_space<hbm>> -> memref<4000xi32, #tpu.memory_space<hbm>>
      tpu.wait_dma2 semaphore(%arg15 : memref<!tpu.dma_semaphore, #tpu.memory_space<semaphore_mem>>) src(%dma_wait3A_52 : memref<4000xi32, #tpu.memory_space<hbm>>) dst(%arg9 : memref<4000xi32, #tpu.memory_space<vmem>>)
      %mul3A_53 = arith.constant 4000 : i32
      %mul3A_54 = arith.muli %add3A_4, %mul3A_53 : i32
      %add3A_55 = arith.constant 320000 : i32
      %add3A_56 = arith.addi %add3A_55, %mul3A_54 : i32
      %dma_wait3A_57 = tpu.memref_slice %arg3[%add3A_56] : memref<640000xi32, #tpu.memory_space<hbm>> -> memref<4000xi32, #tpu.memory_space<hbm>>
      %dma_wait3A_58 = tpu.memref_slice %arg3[%add3A_56] : memref<640000xi32, #tpu.memory_space<hbm>> -> memref<4000xi32, #tpu.memory_space<hbm>>
      tpu.wait_dma2 semaphore(%arg15 : memref<!tpu.dma_semaphore, #tpu.memory_space<semaphore_mem>>) src(%dma_wait3A_58 : memref<4000xi32, #tpu.memory_space<hbm>>) dst(%arg10 : memref<4000xi32, #tpu.memory_space<vmem>>)
      %scan3A_59 = arith.constant 0 : i32
      %scan3A_60 = arith.constant 250 : i32
      %scan3A_61 = arith.addi %scan3A_59, %scan3A_60 : i32
      %scan3A_62 = arith.constant 1 : i32
      scf.for %scan3A_82 = %scan3A_59 to %scan3A_61 step %scan3A_62  : i32 {
        %mul3A_83 = arith.constant 16 : i32
        %mul3A_84 = arith.muli %scan3A_82, %mul3A_83 : i32
        %add3A_85 = arith.constant 0 : i32
        %add3A_86 = arith.addi %add3A_85, %mul3A_84 : i32
        %get3A = arith.index_cast %add3A_86 : i32 to index
        %get3A_87 = tpu.vector_load %arg9[%get3A] {strides = array<i32>} : memref<4000xi32, #tpu.memory_space<vmem>>, vector<16xi32>,
        %mul3A_88 = arith.constant 4 : i32
        %mul3A_89 = vector.broadcast %mul3A_88 : i32 to vector<16xi32>
        %mul3A_90 = arith.muli %get3A_87, %mul3A_89 : vector<16xi32>
        %get3A_91 = arith.index_cast %add3A_86 : i32 to index
        %get3A_92 = tpu.vector_load %arg10[%get3A_91] {strides = array<i32>} : memref<4000xi32, #tpu.memory_space<vmem>>, vector<16xi32>,
        %mul3A_93 = arith.constant 4 : i32
        %mul3A_94 = vector.broadcast %mul3A_93 : i32 to vector<16xi32>
        %mul3A_95 = arith.muli %get3A_92, %mul3A_94 : vector<16xi32>
        %add3A_96 = arith.constant 0 : i32
        %add3A_97 = vector.broadcast %add3A_96 : i32 to vector<16xi32>
        %add3A_98 = arith.addi %mul3A_90, %add3A_97 : vector<16xi32>
        %gather3A = tpu.vector_load_idx %arg5[%add3A_98] : memref<40000xf32, #tpu.memory_space<vmem>>[vector<16xi32>], vector<16xf32>,
        %swap3A = arith.constant 0 : i32
        %swap3A_99 = arith.index_cast %swap3A : i32 to index
        %swap3A_100 = arith.index_cast %add3A_86 : i32 to index
        %swap3A_101 = tpu.vector_load %arg12[%swap3A_99, %swap3A_100] {strides = array<i32>} : memref<8x4000xf32, #tpu.memory_space<vmem>>, vector<16xf32>,
        tpu.vector_store %arg12[%swap3A_99, %swap3A_100], %gather3A {strides = array<i32>} : memref<8x4000xf32, #tpu.memory_space<vmem>>, vector<16xf32>,
        %add3A_102 = arith.constant 0 : i32
        %add3A_103 = vector.broadcast %add3A_102 : i32 to vector<16xi32>
        %add3A_104 = arith.addi %mul3A_95, %add3A_103 : vector<16xi32>
        %gather3A_105 = tpu.vector_load_idx %arg5[%add3A_104] : memref<40000xf32, #tpu.memory_space<vmem>>[vector<16xi32>], vector<16xf32>,
        %swap3A_106 = arith.constant 4 : i32
        %swap3A_107 = arith.index_cast %swap3A_106 : i32 to index
        %swap3A_108 = arith.index_cast %add3A_86 : i32 to index
        %swap3A_109 = tpu.vector_load %arg12[%swap3A_107, %swap3A_108] {strides = array<i32>} : memref<8x4000xf32, #tpu.memory_space<vmem>>, vector<16xf32>,
        tpu.vector_store %arg12[%swap3A_107, %swap3A_108], %gather3A_105 {strides = array<i32>} : memref<8x4000xf32, #tpu.memory_space<vmem>>, vector<16xf32>,
        %add3A_110 = arith.constant 1 : i32
        %add3A_111 = vector.broadcast %add3A_110 : i32 to vector<16xi32>
        %add3A_112 = arith.addi %mul3A_90, %add3A_111 : vector<16xi32>
        %gather3A_113 = tpu.vector_load_idx %arg5[%add3A_112] : memref<40000xf32, #tpu.memory_space<vmem>>[vector<16xi32>], vector<16xf32>,
        %swap3A_114 = arith.constant 1 : i32
        %swap3A_115 = arith.index_cast %swap3A_114 : i32 to index
        %swap3A_116 = arith.index_cast %add3A_86 : i32 to index
        %swap3A_117 = tpu.vector_load %arg12[%swap3A_115, %swap3A_116] {strides = array<i32>} : memref<8x4000xf32, #tpu.memory_space<vmem>>, vector<16xf32>,
        tpu.vector_store %arg12[%swap3A_115, %swap3A_116], %gather3A_113 {strides = array<i32>} : memref<8x4000xf32, #tpu.memory_space<vmem>>, vector<16xf32>,
        %add3A_118 = arith.constant 1 : i32
        %add3A_119 = vector.broadcast %add3A_118 : i32 to vector<16xi32>
        %add3A_120 = arith.addi %mul3A_95, %add3A_119 : vector<16xi32>
        %gather3A_121 = tpu.vector_load_idx %arg5[%add3A_120] : memref<40000xf32, #tpu.memory_space<vmem>>[vector<16xi32>], vector<16xf32>,
        %swap3A_122 = arith.constant 5 : i32
        %swap3A_123 = arith.index_cast %swap3A_122 : i32 to index
        %swap3A_124 = arith.index_cast %add3A_86 : i32 to index
        %swap3A_125 = tpu.vector_load %arg12[%swap3A_123, %swap3A_124] {strides = array<i32>} : memref<8x4000xf32, #tpu.memory_space<vmem>>, vector<16xf32>,
        tpu.vector_store %arg12[%swap3A_123, %swap3A_124], %gather3A_121 {strides = array<i32>} : memref<8x4000xf32, #tpu.memory_space<vmem>>, vector<16xf32>,
        %add3A_126 = arith.constant 2 : i32
        %add3A_127 = vector.broadcast %add3A_126 : i32 to vector<16xi32>
        %add3A_128 = arith.addi %mul3A_90, %add3A_127 : vector<16xi32>
        %gather3A_129 = tpu.vector_load_idx %arg5[%add3A_128] : memref<40000xf32, #tpu.memory_space<vmem>>[vector<16xi32>], vector<16xf32>,
        %swap3A_130 = arith.constant 2 : i32
        %swap3A_131 = arith.index_cast %swap3A_130 : i32 to index
        %swap3A_132 = arith.index_cast %add3A_86 : i32 to index
        %swap3A_133 = tpu.vector_load %arg12[%swap3A_131, %swap3A_132] {strides = array<i32>} : memref<8x4000xf32, #tpu.memory_space<vmem>>, vector<16xf32>,
        tpu.vector_store %arg12[%swap3A_131, %swap3A_132], %gather3A_129 {strides = array<i32>} : memref<8x4000xf32, #tpu.memory_space<vmem>>, vector<16xf32>,
        %add3A_134 = arith.constant 2 : i32
        %add3A_135 = vector.broadcast %add3A_134 : i32 to vector<16xi32>
        %add3A_136 = arith.addi %mul3A_95, %add3A_135 : vector<16xi32>
        %gather3A_137 = tpu.vector_load_idx %arg5[%add3A_136] : memref<40000xf32, #tpu.memory_space<vmem>>[vector<16xi32>], vector<16xf32>,
        %swap3A_138 = arith.constant 6 : i32
        %swap3A_139 = arith.index_cast %swap3A_138 : i32 to index
        %swap3A_140 = arith.index_cast %add3A_86 : i32 to index
        %swap3A_141 = tpu.vector_load %arg12[%swap3A_139, %swap3A_140] {strides = array<i32>} : memref<8x4000xf32, #tpu.memory_space<vmem>>, vector<16xf32>,
        tpu.vector_store %arg12[%swap3A_139, %swap3A_140], %gather3A_137 {strides = array<i32>} : memref<8x4000xf32, #tpu.memory_space<vmem>>, vector<16xf32>,
        %add3A_142 = arith.constant 3 : i32
        %add3A_143 = vector.broadcast %add3A_142 : i32 to vector<16xi32>
        %add3A_144 = arith.addi %mul3A_90, %add3A_143 : vector<16xi32>
        %gather3A_145 = tpu.vector_load_idx %arg5[%add3A_144] : memref<40000xf32, #tpu.memory_space<vmem>>[vector<16xi32>], vector<16xf32>,
        %swap3A_146 = arith.constant 3 : i32
        %swap3A_147 = arith.index_cast %swap3A_146 : i32 to index
        %swap3A_148 = arith.index_cast %add3A_86 : i32 to index
        %swap3A_149 = tpu.vector_load %arg12[%swap3A_147, %swap3A_148] {strides = array<i32>} : memref<8x4000xf32, #tpu.memory_space<vmem>>, vector<16xf32>,
        tpu.vector_store %arg12[%swap3A_147, %swap3A_148], %gather3A_145 {strides = array<i32>} : memref<8x4000xf32, #tpu.memory_space<vmem>>, vector<16xf32>,
        %add3A_150 = arith.constant 3 : i32
        %add3A_151 = vector.broadcast %add3A_150 : i32 to vector<16xi32>
        %add3A_152 = arith.addi %mul3A_95, %add3A_151 : vector<16xi32>
        %gather3A_153 = tpu.vector_load_idx %arg5[%add3A_152] : memref<40000xf32, #tpu.memory_space<vmem>>[vector<16xi32>], vector<16xf32>,
        %swap3A_154 = arith.constant 7 : i32
        %swap3A_155 = arith.index_cast %swap3A_154 : i32 to index
        %swap3A_156 = arith.index_cast %add3A_86 : i32 to index
        %swap3A_157 = tpu.vector_load %arg12[%swap3A_155, %swap3A_156] {strides = array<i32>} : memref<8x4000xf32, #tpu.memory_space<vmem>>, vector<16xf32>,
        tpu.vector_store %arg12[%swap3A_155, %swap3A_156], %gather3A_153 {strides = array<i32>} : memref<8x4000xf32, #tpu.memory_space<vmem>>, vector<16xf32>,
      }
      %scan3A_63 = arith.constant 250 : i32
      %sub3A_64 = arith.constant 0 : i32
      %sub3A_65 = arith.subi %add3A_4, %sub3A_64 : i32
      %dma_start3A_66 = arith.constant 0 : i32
      %dma_start3A_67 = arith.constant 0 : i32
      %dma_start3A_68 = tpu.memref_slice %arg4[%sub3A_65, %dma_start3A_66, %dma_start3A_67] : memref<40x8x4000xf32, #tpu.memory_space<hbm>> -> memref<1x8x4000xf32, #tpu.memory_space<hbm>>
      %dma_start3A_69 = tpu.memref_squeeze %dma_start3A_68 : memref<1x8x4000xf32, #tpu.memory_space<hbm>> -> memref<8x4000xf32, #tpu.memory_space<hbm>>
      %dma_start3A_70 = arith.constant 0 : i32
      %dma_start3A_71 = arith.constant 0 : i32
      %dma_start3A_72 = tpu.memref_slice %arg4[%sub3A_65, %dma_start3A_70, %dma_start3A_71] : memref<40x8x4000xf32, #tpu.memory_space<hbm>> -> memref<1x8x4000xf32, #tpu.memory_space<hbm>>
      %dma_start3A_73 = tpu.memref_squeeze %dma_start3A_72 : memref<1x8x4000xf32, #tpu.memory_space<hbm>> -> memref<8x4000xf32, #tpu.memory_space<hbm>>
      tpu.enqueue_dma source(%arg12 : memref<8x4000xf32, #tpu.memory_space<vmem>>) target(%dma_start3A_73 : memref<8x4000xf32, #tpu.memory_space<hbm>>) target_semaphore(%arg17 : memref<!tpu.dma_semaphore, #tpu.memory_space<semaphore_mem>>)
      %dma_wait3A_74 = arith.constant 0 : i32
      %dma_wait3A_75 = arith.constant 0 : i32
      %dma_wait3A_76 = tpu.memref_slice %arg4[%sub3A_65, %dma_wait3A_74, %dma_wait3A_75] : memref<40x8x4000xf32, #tpu.memory_space<hbm>> -> memref<1x8x4000xf32, #tpu.memory_space<hbm>>
      %dma_wait3A_77 = tpu.memref_squeeze %dma_wait3A_76 : memref<1x8x4000xf32, #tpu.memory_space<hbm>> -> memref<8x4000xf32, #tpu.memory_space<hbm>>
      %dma_wait3A_78 = arith.constant 0 : i32
      %dma_wait3A_79 = arith.constant 0 : i32
      %dma_wait3A_80 = tpu.memref_slice %arg4[%sub3A_65, %dma_wait3A_78, %dma_wait3A_79] : memref<40x8x4000xf32, #tpu.memory_space<hbm>> -> memref<1x8x4000xf32, #tpu.memory_space<hbm>>
      %dma_wait3A_81 = tpu.memref_squeeze %dma_wait3A_80 : memref<1x8x4000xf32, #tpu.memory_space<hbm>> -> memref<8x4000xf32, #tpu.memory_space<hbm>>
      tpu.wait_dma2 semaphore(%arg17 : memref<!tpu.dma_semaphore, #tpu.memory_space<semaphore_mem>>) src(%arg12 : memref<8x4000xf32, #tpu.memory_space<vmem>>) dst(%dma_wait3A_81 : memref<8x4000xf32, #tpu.memory_space<hbm>>)
    } else {
    }
    %dma_wait3A_41 = arith.constant 0 : i32
    %dma_wait3A_42 = arith.constant 0 : i32
    %dma_wait3A_43 = tpu.memref_slice %arg4[%sub3A_27, %dma_wait3A_41, %dma_wait3A_42] : memref<40x8x4000xf32, #tpu.memory_space<hbm>> -> memref<1x8x4000xf32, #tpu.memory_space<hbm>>
    %dma_wait3A_44 = tpu.memref_squeeze %dma_wait3A_43 : memref<1x8x4000xf32, #tpu.memory_space<hbm>> -> memref<8x4000xf32, #tpu.memory_space<hbm>>
    %dma_wait3A_45 = arith.constant 0 : i32
    %dma_wait3A_46 = arith.constant 0 : i32
    %dma_wait3A_47 = tpu.memref_slice %arg4[%sub3A_27, %dma_wait3A_45, %dma_wait3A_46] : memref<40x8x4000xf32, #tpu.memory_space<hbm>> -> memref<1x8x4000xf32, #tpu.memory_space<hbm>>
    %dma_wait3A_48 = tpu.memref_squeeze %dma_wait3A_47 : memref<1x8x4000xf32, #tpu.memory_space<hbm>> -> memref<8x4000xf32, #tpu.memory_space<hbm>>
    tpu.wait_dma2 semaphore(%arg16 : memref<!tpu.dma_semaphore, #tpu.memory_space<semaphore_mem>>) src(%arg11 : memref<8x4000xf32, #tpu.memory_space<vmem>>) dst(%dma_wait3A_48 : memref<8x4000xf32, #tpu.memory_space<hbm>>)
    return
  }
}

module attributes {stable_mosaic.version = 14 : i64} {
  func.func @_table_kernel(%arg0: i32, %arg1: memref<2000x12xf32, #tpu.memory_space<vmem>>, %arg2: memref<2000x4xf32, #tpu.memory_space<vmem>>) attributes {dimension_semantics = [#tpu.dimension_semantics<arbitrary>], iteration_bounds = array<i64: 5>, scalar_prefetch = 0 : i64, scratch_operands = 0 : i64, tpu.core_type = #tpu.core_type<tc>, window_params = [{transform_indices = @transform_0, window_bounds = array<i64: 2000, 12>}, {transform_indices = @transform_1, window_bounds = array<i64: 2000, 4>}]} {
    %get3A = arith.constant 0 : index
    %get3A_0 = arith.constant 0 : index
    %get3A_1 = vector.load %arg1[%get3A, %get3A_0] : memref<2000x12xf32, #tpu.memory_space<vmem>>, vector<2000x12xf32>
    %slice3A = vector.extract_strided_slice %get3A_1 {offsets = [0, 10], sizes = [2000, 2], strides = [1, 1]} : vector<2000x12xf32> to vector<2000x2xf32>
    %slice3A_2 = vector.extract_strided_slice %get3A_1 {offsets = [0, 10], sizes = [2000, 2], strides = [1, 1]} : vector<2000x12xf32> to vector<2000x2xf32>
    %slice3A_3 = vector.extract_strided_slice %get3A_1 {offsets = [0, 8], sizes = [2000, 2], strides = [1, 1]} : vector<2000x12xf32> to vector<2000x2xf32>
    %sub3A = arith.subf %slice3A_2, %slice3A_3 : vector<2000x2xf32>
    %mul3A = arith.constant 6.250000e+02 : f32
    %mul3A_4 = vector.broadcast %mul3A : f32 to vector<2000x2xf32>
    %mul3A_5 = arith.mulf %sub3A, %mul3A_4 : vector<2000x2xf32>
    %concatenate3A = tpu.concatenate %slice3A, %mul3A_5 in 1 : vector<2000x2xf32>, vector<2000x2xf32> -> vector<2000x4xf32>
    %swap3A = arith.constant 0 : index
    %swap3A_6 = arith.constant 0 : index
    %swap3A_7 = vector.load %arg2[%swap3A, %swap3A_6] : memref<2000x4xf32, #tpu.memory_space<vmem>>, vector<2000x4xf32>
    tpu.vector_store %arg2[%swap3A, %swap3A_6], %concatenate3A {strides = array<i32>} : memref<2000x4xf32, #tpu.memory_space<vmem>>, vector<2000x4xf32>,
    return
  }
  func.func @transform_0(%arg0: i32) -> (i32, i32) {
    %c0_i32 = arith.constant 0 : i32
    %c0_i32_0 = arith.constant 0 : i32
    return %arg0, %c0_i32 : i32, i32
  }
  func.func @transform_1(%arg0: i32) -> (i32, i32) {
    %c0_i32 = arith.constant 0 : i32
    %c0_i32_0 = arith.constant 0 : i32
    return %arg0, %c0_i32 : i32, i32
  }
}

module attributes {stable_mosaic.version = 14 : i64} {
  func.func @_node_kernel(%arg0: i32, %arg1: memref<2000x12xf32, #tpu.memory_space<vmem>>, %arg2: memref<2x2xf32, #tpu.memory_space<vmem>>, %arg3: memref<16x32xf32, #tpu.memory_space<vmem>>, %arg4: memref<1x32xf32, #tpu.memory_space<vmem>>, %arg5: memref<32x64xf32, #tpu.memory_space<vmem>>, %arg6: memref<1x64xf32, #tpu.memory_space<vmem>>, %arg7: memref<64x128xf32, #tpu.memory_space<vmem>>, %arg8: memref<1x128xf32, #tpu.memory_space<vmem>>, %arg9: memref<1x128xf32, #tpu.memory_space<vmem>>, %arg10: memref<1x128xf32, #tpu.memory_space<vmem>>, %arg11: memref<2000x128xf32, #tpu.memory_space<vmem>>) attributes {dimension_semantics = [#tpu.dimension_semantics<arbitrary>], iteration_bounds = array<i64: 5>, scalar_prefetch = 0 : i64, scratch_operands = 0 : i64, tpu.core_type = #tpu.core_type<tc>, window_params = [{transform_indices = @transform_0, window_bounds = array<i64: 2000, 12>}, {pipeline_mode = #tpu.pipeline_mode<synchronous>, transform_indices = @transform_1, window_bounds = array<i64: 2, 2>}, {pipeline_mode = #tpu.pipeline_mode<synchronous>, transform_indices = @transform_2, window_bounds = array<i64: 16, 32>}, {pipeline_mode = #tpu.pipeline_mode<synchronous>, transform_indices = @transform_3, window_bounds = array<i64: 1, 32>}, {pipeline_mode = #tpu.pipeline_mode<synchronous>, transform_indices = @transform_4, window_bounds = array<i64: 32, 64>}, {pipeline_mode = #tpu.pipeline_mode<synchronous>, transform_indices = @transform_5, window_bounds = array<i64: 1, 64>}, {pipeline_mode = #tpu.pipeline_mode<synchronous>, transform_indices = @transform_6, window_bounds = array<i64: 64, 128>}, {pipeline_mode = #tpu.pipeline_mode<synchronous>, transform_indices = @transform_7, window_bounds = array<i64: 1, 128>}, {pipeline_mode = #tpu.pipeline_mode<synchronous>, transform_indices = @transform_8, window_bounds = array<i64: 1, 128>}, {pipeline_mode = #tpu.pipeline_mode<synchronous>, transform_indices = @transform_9, window_bounds = array<i64: 1, 128>}, {transform_indices = @transform_10, window_bounds = array<i64: 2000, 128>}]} {
    %get3A = arith.constant 0 : index
    %get3A_0 = arith.constant 0 : index
    %get3A_1 = vector.load %arg1[%get3A, %get3A_0] : memref<2000x12xf32, #tpu.memory_space<vmem>>, vector<2000x12xf32>
    %slice3A = vector.extract_strided_slice %get3A_1 {offsets = [0, 2], sizes = [2000, 10], strides = [1, 1]} : vector<2000x12xf32> to vector<2000x10xf32>
    %slice3A_2 = vector.extract_strided_slice %get3A_1 {offsets = [0, 0], sizes = [2000, 10], strides = [1, 1]} : vector<2000x12xf32> to vector<2000x10xf32>
    %sub3A = arith.subf %slice3A, %slice3A_2 : vector<2000x10xf32>
    %mul3A = arith.constant 6.250000e+02 : f32
    %mul3A_3 = vector.broadcast %mul3A : f32 to vector<2000x10xf32>
    %mul3A_4 = arith.mulf %sub3A, %mul3A_3 : vector<2000x10xf32>
    %slice3A_5 = vector.extract_strided_slice %get3A_1 {offsets = [0, 10], sizes = [2000, 2], strides = [1, 1]} : vector<2000x12xf32> to vector<2000x2xf32>
    %slice3A_6 = vector.extract_strided_slice %get3A_1 {offsets = [0, 10], sizes = [2000, 1], strides = [1, 1]} : vector<2000x12xf32> to vector<2000x1xf32>
    %slice3A_7 = vector.extract_strided_slice %get3A_1 {offsets = [0, 11], sizes = [2000, 1], strides = [1, 1]} : vector<2000x12xf32> to vector<2000x1xf32>
    %get3A_8 = arith.constant 0 : index
    %get3A_9 = arith.constant 0 : index
    %get3A_10 = vector.load %arg2[%get3A_8, %get3A_9] : memref<2x2xf32, #tpu.memory_space<vmem>>, vector<1x2xf32>
    %sub3A_11 = vector.broadcast %slice3A_6 : vector<2000x1xf32> to vector<2000x2xf32>
    %sub3A_12 = vector.broadcast %get3A_10 : vector<1x2xf32> to vector<2000x2xf32>
    %sub3A_13 = arith.subf %sub3A_11, %sub3A_12 : vector<2000x2xf32>
    %jit3A = arith.constant -1.000000e+00 : f32
    %jit3A_14 = arith.constant 1.000000e+00 : f32
    %max3A = vector.broadcast %jit3A : f32 to vector<2000x2xf32>
    %max3A_15 = arith.maximumf %max3A, %sub3A_13 : vector<2000x2xf32>
    %min3A = vector.broadcast %jit3A_14 : f32 to vector<2000x2xf32>
    %min3A_16 = arith.minimumf %min3A, %max3A_15 : vector<2000x2xf32>
    %get3A_17 = arith.constant 1 : index
    %get3A_18 = arith.constant 0 : index
    %get3A_19 = vector.load %arg2[%get3A_17, %get3A_18] : memref<2x2xf32, #tpu.memory_space<vmem>>, vector<1x2xf32>
    %sub3A_20 = vector.broadcast %slice3A_7 : vector<2000x1xf32> to vector<2000x2xf32>
    %sub3A_21 = vector.broadcast %get3A_19 : vector<1x2xf32> to vector<2000x2xf32>
    %sub3A_22 = arith.subf %sub3A_20, %sub3A_21 : vector<2000x2xf32>
    %jit3A_23 = arith.constant -1.000000e+00 : f32
    %jit3A_24 = arith.constant 1.000000e+00 : f32
    %max3A_25 = vector.broadcast %jit3A_23 : f32 to vector<2000x2xf32>
    %max3A_26 = arith.maximumf %max3A_25, %sub3A_22 : vector<2000x2xf32>
    %min3A_27 = vector.broadcast %jit3A_24 : f32 to vector<2000x2xf32>
    %min3A_28 = arith.minimumf %min3A_27, %max3A_26 : vector<2000x2xf32>
    %concatenate3A = tpu.concatenate %mul3A_4, %slice3A_5, %min3A_16, %min3A_28 in 1 : vector<2000x10xf32>, vector<2000x2xf32>, vector<2000x2xf32>, vector<2000x2xf32> -> vector<2000x16xf32>
    %get3A_29 = arith.constant 0 : index
    %get3A_30 = arith.constant 0 : index
    %get3A_31 = vector.load %arg3[%get3A_29, %get3A_30] : memref<16x32xf32, #tpu.memory_space<vmem>>, vector<16x32xf32>
    %dot_general3A = arith.constant dense<0.000000e+00> : vector<2000x32xf32>
    %dot_general3A_32 = tpu.matmul %concatenate3A, %get3A_31, %dot_general3A {dimension_numbers = #tpu.dot_dimension_numbers<[1], [0], [0], [1], [0, 0, 1, 1], [], []>, transpose_lhs_hint = false} : vector<2000x16xf32>, vector<16x32xf32>, vector<2000x32xf32> -> vector<2000x32xf32>
    %get3A_33 = arith.constant 0 : index
    %get3A_34 = arith.constant 0 : index
    %get3A_35 = vector.load %arg4[%get3A_33, %get3A_34] : memref<1x32xf32, #tpu.memory_space<vmem>>, vector<1x32xf32>
    %add3A = vector.broadcast %get3A_35 : vector<1x32xf32> to vector<2000x32xf32>
    %add3A_36 = arith.addf %dot_general3A_32, %add3A : vector<2000x32xf32>
    %max3A_37 = arith.constant 0.000000e+00 : f32
    %max3A_38 = vector.broadcast %max3A_37 : f32 to vector<2000x32xf32>
    %max3A_39 = arith.maximumf %add3A_36, %max3A_38 : vector<2000x32xf32>
    %get3A_40 = arith.constant 0 : index
    %get3A_41 = arith.constant 0 : index
    %get3A_42 = vector.load %arg5[%get3A_40, %get3A_41] : memref<32x64xf32, #tpu.memory_space<vmem>>, vector<32x64xf32>
    %dot_general3A_43 = arith.constant dense<0.000000e+00> : vector<2000x64xf32>
    %dot_general3A_44 = tpu.matmul %max3A_39, %get3A_42, %dot_general3A_43 {dimension_numbers = #tpu.dot_dimension_numbers<[1], [0], [0], [1], [0, 0, 1, 1], [], []>, transpose_lhs_hint = false} : vector<2000x32xf32>, vector<32x64xf32>, vector<2000x64xf32> -> vector<2000x64xf32>
    %get3A_45 = arith.constant 0 : index
    %get3A_46 = arith.constant 0 : index
    %get3A_47 = vector.load %arg6[%get3A_45, %get3A_46] : memref<1x64xf32, #tpu.memory_space<vmem>>, vector<1x64xf32>
    %add3A_48 = vector.broadcast %get3A_47 : vector<1x64xf32> to vector<2000x64xf32>
    %add3A_49 = arith.addf %dot_general3A_44, %add3A_48 : vector<2000x64xf32>
    %max3A_50 = arith.constant 0.000000e+00 : f32
    %max3A_51 = vector.broadcast %max3A_50 : f32 to vector<2000x64xf32>
    %max3A_52 = arith.maximumf %add3A_49, %max3A_51 : vector<2000x64xf32>
    %get3A_53 = arith.constant 0 : index
    %get3A_54 = arith.constant 0 : index
    %get3A_55 = vector.load %arg7[%get3A_53, %get3A_54] : memref<64x128xf32, #tpu.memory_space<vmem>>, vector<64x128xf32>
    %dot_general3A_56 = arith.constant dense<0.000000e+00> : vector<2000x128xf32>
    %dot_general3A_57 = tpu.matmul %max3A_52, %get3A_55, %dot_general3A_56 {dimension_numbers = #tpu.dot_dimension_numbers<[1], [0], [0], [1], [0, 0, 1, 1], [], []>, transpose_lhs_hint = false} : vector<2000x64xf32>, vector<64x128xf32>, vector<2000x128xf32> -> vector<2000x128xf32>
    %get3A_58 = arith.constant 0 : index
    %get3A_59 = arith.constant 0 : index
    %get3A_60 = vector.load %arg8[%get3A_58, %get3A_59] : memref<1x128xf32, #tpu.memory_space<vmem>>, vector<1x128xf32>
    %add3A_61 = vector.broadcast %get3A_60 : vector<1x128xf32> to vector<2000x128xf32>
    %add3A_62 = arith.addf %dot_general3A_57, %add3A_61 : vector<2000x128xf32>
    %reduce_sum3A = arith.constant dense<0.000000e+00> : vector<2000xf32>
    %reduce_sum3A_63 = vector.multi_reduction <add>, %add3A_62, %reduce_sum3A [1] : vector<2000x128xf32> to vector<2000xf32>
    %broadcast_in_dim3A = vector.shape_cast %reduce_sum3A_63 : vector<2000xf32> to vector<2000x1xf32>
    %div3A = arith.constant 1.280000e+02 : f32
    %div3A_64 = vector.broadcast %div3A : f32 to vector<2000x1xf32>
    %div3A_65 = arith.divf %broadcast_in_dim3A, %div3A_64 : vector<2000x1xf32>
    %sub3A_66 = vector.broadcast %div3A_65 : vector<2000x1xf32> to vector<2000x128xf32>
    %sub3A_67 = arith.subf %add3A_62, %sub3A_66 : vector<2000x128xf32>
    %mul3A_68 = arith.mulf %sub3A_67, %sub3A_67 : vector<2000x128xf32>
    %reduce_sum3A_69 = arith.constant dense<0.000000e+00> : vector<2000xf32>
    %reduce_sum3A_70 = vector.multi_reduction <add>, %mul3A_68, %reduce_sum3A_69 [1] : vector<2000x128xf32> to vector<2000xf32>
    %broadcast_in_dim3A_71 = vector.shape_cast %reduce_sum3A_70 : vector<2000xf32> to vector<2000x1xf32>
    %div3A_72 = arith.constant 1.280000e+02 : f32
    %div3A_73 = vector.broadcast %div3A_72 : f32 to vector<2000x1xf32>
    %div3A_74 = arith.divf %broadcast_in_dim3A_71, %div3A_73 : vector<2000x1xf32>
    %add3A_75 = arith.constant 9.99999974E-6 : f32
    %add3A_76 = vector.broadcast %add3A_75 : f32 to vector<2000x1xf32>
    %add3A_77 = arith.addf %div3A_74, %add3A_76 : vector<2000x1xf32>
    %rsqrt3A = math.rsqrt %add3A_77 : vector<2000x1xf32>
    %mul3A_78 = vector.broadcast %rsqrt3A : vector<2000x1xf32> to vector<2000x128xf32>
    %mul3A_79 = arith.mulf %sub3A_67, %mul3A_78 : vector<2000x128xf32>
    %get3A_80 = arith.constant 0 : index
    %get3A_81 = arith.constant 0 : index
    %get3A_82 = vector.load %arg9[%get3A_80, %get3A_81] : memref<1x128xf32, #tpu.memory_space<vmem>>, vector<1x128xf32>
    %mul3A_83 = vector.broadcast %get3A_82 : vector<1x128xf32> to vector<2000x128xf32>
    %mul3A_84 = arith.mulf %mul3A_79, %mul3A_83 : vector<2000x128xf32>
    %get3A_85 = arith.constant 0 : index
    %get3A_86 = arith.constant 0 : index
    %get3A_87 = vector.load %arg10[%get3A_85, %get3A_86] : memref<1x128xf32, #tpu.memory_space<vmem>>, vector<1x128xf32>
    %add3A_88 = vector.broadcast %get3A_87 : vector<1x128xf32> to vector<2000x128xf32>
    %add3A_89 = arith.addf %mul3A_84, %add3A_88 : vector<2000x128xf32>
    %swap3A = arith.constant 0 : index
    %swap3A_90 = arith.constant 0 : index
    %swap3A_91 = vector.load %arg11[%swap3A, %swap3A_90] : memref<2000x128xf32, #tpu.memory_space<vmem>>, vector<2000x128xf32>
    tpu.vector_store %arg11[%swap3A, %swap3A_90], %add3A_89 {strides = array<i32>} : memref<2000x128xf32, #tpu.memory_space<vmem>>, vector<2000x128xf32>,
    return
  }
  func.func @transform_0(%arg0: i32) -> (i32, i32) {
    %c0_i32 = arith.constant 0 : i32
    %c0_i32_0 = arith.constant 0 : i32
    return %arg0, %c0_i32 : i32, i32
  }
  func.func @transform_1(%arg0: i32) -> (i32, i32) {
    %c0_i32 = arith.constant 0 : i32
    %c0_i32_0 = arith.constant 0 : i32
    %c0_i32_1 = arith.constant 0 : i32
    return %c0_i32, %c0_i32_0 : i32, i32
  }
  func.func @transform_2(%arg0: i32) -> (i32, i32) {
    %c0_i32 = arith.constant 0 : i32
    %c0_i32_0 = arith.constant 0 : i32
    %c0_i32_1 = arith.constant 0 : i32
    return %c0_i32, %c0_i32_0 : i32, i32
  }
  func.func @transform_3(%arg0: i32) -> (i32, i32) {
    %c0_i32 = arith.constant 0 : i32
    %c0_i32_0 = arith.constant 0 : i32
    %c0_i32_1 = arith.constant 0 : i32
    return %c0_i32, %c0_i32_0 : i32, i32
  }
  func.func @transform_4(%arg0: i32) -> (i32, i32) {
    %c0_i32 = arith.constant 0 : i32
    %c0_i32_0 = arith.constant 0 : i32
    %c0_i32_1 = arith.constant 0 : i32
    return %c0_i32, %c0_i32_0 : i32, i32
  }
  func.func @transform_5(%arg0: i32) -> (i32, i32) {
    %c0_i32 = arith.constant 0 : i32
    %c0_i32_0 = arith.constant 0 : i32
    %c0_i32_1 = arith.constant 0 : i32
    return %c0_i32, %c0_i32_0 : i32, i32
  }
  func.func @transform_6(%arg0: i32) -> (i32, i32) {
    %c0_i32 = arith.constant 0 : i32
    %c0_i32_0 = arith.constant 0 : i32
    %c0_i32_1 = arith.constant 0 : i32
    return %c0_i32, %c0_i32_0 : i32, i32
  }
  func.func @transform_7(%arg0: i32) -> (i32, i32) {
    %c0_i32 = arith.constant 0 : i32
    %c0_i32_0 = arith.constant 0 : i32
    %c0_i32_1 = arith.constant 0 : i32
    return %c0_i32, %c0_i32_0 : i32, i32
  }
  func.func @transform_8(%arg0: i32) -> (i32, i32) {
    %c0_i32 = arith.constant 0 : i32
    %c0_i32_0 = arith.constant 0 : i32
    %c0_i32_1 = arith.constant 0 : i32
    return %c0_i32, %c0_i32_0 : i32, i32
  }
  func.func @transform_9(%arg0: i32) -> (i32, i32) {
    %c0_i32 = arith.constant 0 : i32
    %c0_i32_0 = arith.constant 0 : i32
    %c0_i32_1 = arith.constant 0 : i32
    return %c0_i32, %c0_i32_0 : i32, i32
  }
  func.func @transform_10(%arg0: i32) -> (i32, i32) {
    %c0_i32 = arith.constant 0 : i32
    %c0_i32_0 = arith.constant 0 : i32
    return %arg0, %c0_i32 : i32, i32
  }
}

module attributes {stable_mosaic.version = 14 : i64} {
  func.func @_edge_kernel(%arg0: i32, %arg1: memref<1x8x4000xf32, #tpu.memory_space<vmem>>, %arg2: memref<32x8xf32, #tpu.memory_space<vmem>>, %arg3: memref<32x1xf32, #tpu.memory_space<vmem>>, %arg4: memref<64x32xf32, #tpu.memory_space<vmem>>, %arg5: memref<64x1xf32, #tpu.memory_space<vmem>>, %arg6: memref<128x64xf32, #tpu.memory_space<vmem>>, %arg7: memref<128x1xf32, #tpu.memory_space<vmem>>, %arg8: memref<128x1xf32, #tpu.memory_space<vmem>>, %arg9: memref<128x1xf32, #tpu.memory_space<vmem>>, %arg10: memref<4000x128xf32, #tpu.memory_space<vmem>>) attributes {dimension_semantics = [#tpu.dimension_semantics<arbitrary>], iteration_bounds = array<i64: 40>, scalar_prefetch = 0 : i64, scratch_operands = 0 : i64, tpu.core_type = #tpu.core_type<tc>, window_params = [{transform_indices = @transform_0, window_bounds = array<i64: 1, 8, 4000>}, {pipeline_mode = #tpu.pipeline_mode<synchronous>, transform_indices = @transform_1, window_bounds = array<i64: 32, 8>}, {pipeline_mode = #tpu.pipeline_mode<synchronous>, transform_indices = @transform_2, window_bounds = array<i64: 32, 1>}, {pipeline_mode = #tpu.pipeline_mode<synchronous>, transform_indices = @transform_3, window_bounds = array<i64: 64, 32>}, {pipeline_mode = #tpu.pipeline_mode<synchronous>, transform_indices = @transform_4, window_bounds = array<i64: 64, 1>}, {pipeline_mode = #tpu.pipeline_mode<synchronous>, transform_indices = @transform_5, window_bounds = array<i64: 128, 64>}, {pipeline_mode = #tpu.pipeline_mode<synchronous>, transform_indices = @transform_6, window_bounds = array<i64: 128, 1>}, {pipeline_mode = #tpu.pipeline_mode<synchronous>, transform_indices = @transform_7, window_bounds = array<i64: 128, 1>}, {pipeline_mode = #tpu.pipeline_mode<synchronous>, transform_indices = @transform_8, window_bounds = array<i64: 128, 1>}, {transform_indices = @transform_9, window_bounds = array<i64: 4000, 128>}]} {
    %get3A = arith.constant 0 : index
    %get3A_0 = arith.constant 0 : index
    %get3A_1 = arith.constant 0 : index
    %get3A_2 = vector.load %arg1[%get3A, %get3A_0, %get3A_1] : memref<1x8x4000xf32, #tpu.memory_space<vmem>>, vector<1x8x4000xf32>
    %reshape3A = vector.shape_cast %get3A_2 : vector<1x8x4000xf32> to vector<8x4000xf32>
    %slice3A = vector.extract_strided_slice %reshape3A {offsets = [0, 0], sizes = [4, 4000], strides = [1, 1]} : vector<8x4000xf32> to vector<4x4000xf32>
    %slice3A_3 = vector.extract_strided_slice %reshape3A {offsets = [4, 0], sizes = [4, 4000], strides = [1, 1]} : vector<8x4000xf32> to vector<4x4000xf32>
    %sub3A = arith.subf %slice3A, %slice3A_3 : vector<4x4000xf32>
    %slice3A_4 = vector.extract_strided_slice %sub3A {offsets = [0, 0], sizes = [1, 4000], strides = [1, 1]} : vector<4x4000xf32> to vector<1x4000xf32>
    %slice3A_5 = vector.extract_strided_slice %sub3A {offsets = [1, 0], sizes = [1, 4000], strides = [1, 1]} : vector<4x4000xf32> to vector<1x4000xf32>
    %slice3A_6 = vector.extract_strided_slice %sub3A {offsets = [2, 0], sizes = [1, 4000], strides = [1, 1]} : vector<4x4000xf32> to vector<1x4000xf32>
    %slice3A_7 = vector.extract_strided_slice %sub3A {offsets = [3, 0], sizes = [1, 4000], strides = [1, 1]} : vector<4x4000xf32> to vector<1x4000xf32>
    %mul3A = arith.mulf %slice3A_4, %slice3A_4 : vector<1x4000xf32>
    %mul3A_8 = arith.mulf %slice3A_5, %slice3A_5 : vector<1x4000xf32>
    %add3A = arith.addf %mul3A, %mul3A_8 : vector<1x4000xf32>
    %sqrt3A = math.sqrt %add3A : vector<1x4000xf32>
    %mul3A_9 = arith.mulf %slice3A_6, %slice3A_6 : vector<1x4000xf32>
    %mul3A_10 = arith.mulf %slice3A_7, %slice3A_7 : vector<1x4000xf32>
    %add3A_11 = arith.addf %mul3A_9, %mul3A_10 : vector<1x4000xf32>
    %sqrt3A_12 = math.sqrt %add3A_11 : vector<1x4000xf32>
    %mul3A_13 = arith.mulf %slice3A_6, %slice3A_4 : vector<1x4000xf32>
    %mul3A_14 = arith.mulf %slice3A_7, %slice3A_5 : vector<1x4000xf32>
    %add3A_15 = arith.addf %mul3A_13, %mul3A_14 : vector<1x4000xf32>
    %add3A_16 = arith.constant 9.99999997E-7 : f32
    %add3A_17 = vector.broadcast %add3A_16 : f32 to vector<1x4000xf32>
    %add3A_18 = arith.addf %sqrt3A_12, %add3A_17 : vector<1x4000xf32>
    %div3A = arith.divf %add3A_15, %add3A_18 : vector<1x4000xf32>
    %add3A_19 = arith.constant 9.99999997E-7 : f32
    %add3A_20 = vector.broadcast %add3A_19 : f32 to vector<1x4000xf32>
    %add3A_21 = arith.addf %sqrt3A, %add3A_20 : vector<1x4000xf32>
    %div3A_22 = arith.divf %div3A, %add3A_21 : vector<1x4000xf32>
    %slice3A_23 = vector.extract_strided_slice %sub3A {offsets = [0, 0], sizes = [2, 4000], strides = [1, 1]} : vector<4x4000xf32> to vector<2x4000xf32>
    %slice3A_24 = vector.extract_strided_slice %sub3A {offsets = [2, 0], sizes = [2, 4000], strides = [1, 1]} : vector<4x4000xf32> to vector<2x4000xf32>
    %broadcast_in_dim3A = arith.constant 0.000000e+00 : f32
    %broadcast_in_dim3A_25 = vector.broadcast %broadcast_in_dim3A : f32 to vector<1x4000xf32>
    %concatenate3A = tpu.concatenate %slice3A_23, %sqrt3A, %slice3A_24, %sqrt3A_12, %div3A_22, %broadcast_in_dim3A_25 in 0 : vector<2x4000xf32>, vector<1x4000xf32>, vector<2x4000xf32>, vector<1x4000xf32>, vector<1x4000xf32>, vector<1x4000xf32> -> vector<8x4000xf32>
    %get3A_26 = arith.constant 0 : index
    %get3A_27 = arith.constant 0 : index
    %get3A_28 = vector.load %arg2[%get3A_26, %get3A_27] : memref<32x8xf32, #tpu.memory_space<vmem>>, vector<32x8xf32>
    %dot_general3A = arith.constant dense<0.000000e+00> : vector<32x4000xf32>
    %dot_general3A_29 = tpu.matmul %get3A_28, %concatenate3A, %dot_general3A {dimension_numbers = #tpu.dot_dimension_numbers<[1], [0], [0], [1], [0, 0, 1, 1], [], []>, transpose_lhs_hint = false} : vector<32x8xf32>, vector<8x4000xf32>, vector<32x4000xf32> -> vector<32x4000xf32>
    %get3A_30 = arith.constant 0 : index
    %get3A_31 = arith.constant 0 : index
    %get3A_32 = vector.load %arg3[%get3A_30, %get3A_31] : memref<32x1xf32, #tpu.memory_space<vmem>>, vector<32x1xf32>
    %add3A_33 = vector.broadcast %get3A_32 : vector<32x1xf32> to vector<32x4000xf32>
    %add3A_34 = arith.addf %dot_general3A_29, %add3A_33 : vector<32x4000xf32>
    %max3A = arith.constant 0.000000e+00 : f32
    %max3A_35 = vector.broadcast %max3A : f32 to vector<32x4000xf32>
    %max3A_36 = arith.maximumf %add3A_34, %max3A_35 : vector<32x4000xf32>
    %get3A_37 = arith.constant 0 : index
    %get3A_38 = arith.constant 0 : index
    %get3A_39 = vector.load %arg4[%get3A_37, %get3A_38] : memref<64x32xf32, #tpu.memory_space<vmem>>, vector<64x32xf32>
    %dot_general3A_40 = arith.constant dense<0.000000e+00> : vector<64x4000xf32>
    %dot_general3A_41 = tpu.matmul %get3A_39, %max3A_36, %dot_general3A_40 {dimension_numbers = #tpu.dot_dimension_numbers<[1], [0], [0], [1], [0, 0, 1, 1], [], []>, transpose_lhs_hint = false} : vector<64x32xf32>, vector<32x4000xf32>, vector<64x4000xf32> -> vector<64x4000xf32>
    %get3A_42 = arith.constant 0 : index
    %get3A_43 = arith.constant 0 : index
    %get3A_44 = vector.load %arg5[%get3A_42, %get3A_43] : memref<64x1xf32, #tpu.memory_space<vmem>>, vector<64x1xf32>
    %add3A_45 = vector.broadcast %get3A_44 : vector<64x1xf32> to vector<64x4000xf32>
    %add3A_46 = arith.addf %dot_general3A_41, %add3A_45 : vector<64x4000xf32>
    %max3A_47 = arith.constant 0.000000e+00 : f32
    %max3A_48 = vector.broadcast %max3A_47 : f32 to vector<64x4000xf32>
    %max3A_49 = arith.maximumf %add3A_46, %max3A_48 : vector<64x4000xf32>
    %get3A_50 = arith.constant 0 : index
    %get3A_51 = arith.constant 0 : index
    %get3A_52 = vector.load %arg6[%get3A_50, %get3A_51] : memref<128x64xf32, #tpu.memory_space<vmem>>, vector<128x64xf32>
    %dot_general3A_53 = arith.constant dense<0.000000e+00> : vector<128x4000xf32>
    %dot_general3A_54 = tpu.matmul %get3A_52, %max3A_49, %dot_general3A_53 {dimension_numbers = #tpu.dot_dimension_numbers<[1], [0], [0], [1], [0, 0, 1, 1], [], []>, transpose_lhs_hint = false} : vector<128x64xf32>, vector<64x4000xf32>, vector<128x4000xf32> -> vector<128x4000xf32>
    %get3A_55 = arith.constant 0 : index
    %get3A_56 = arith.constant 0 : index
    %get3A_57 = vector.load %arg7[%get3A_55, %get3A_56] : memref<128x1xf32, #tpu.memory_space<vmem>>, vector<128x1xf32>
    %add3A_58 = vector.broadcast %get3A_57 : vector<128x1xf32> to vector<128x4000xf32>
    %add3A_59 = arith.addf %dot_general3A_54, %add3A_58 : vector<128x4000xf32>
    %reduce_sum3A = arith.constant dense<0.000000e+00> : vector<4000xf32>
    %reduce_sum3A_60 = vector.multi_reduction <add>, %add3A_59, %reduce_sum3A [0] : vector<128x4000xf32> to vector<4000xf32>
    %broadcast_in_dim3A_61 = vector.shape_cast %reduce_sum3A_60 : vector<4000xf32> to vector<1x4000xf32>
    %div3A_62 = arith.constant 1.280000e+02 : f32
    %div3A_63 = vector.broadcast %div3A_62 : f32 to vector<1x4000xf32>
    %div3A_64 = arith.divf %broadcast_in_dim3A_61, %div3A_63 : vector<1x4000xf32>
    %sub3A_65 = vector.broadcast %div3A_64 : vector<1x4000xf32> to vector<128x4000xf32>
    %sub3A_66 = arith.subf %add3A_59, %sub3A_65 : vector<128x4000xf32>
    %mul3A_67 = arith.mulf %sub3A_66, %sub3A_66 : vector<128x4000xf32>
    %reduce_sum3A_68 = arith.constant dense<0.000000e+00> : vector<4000xf32>
    %reduce_sum3A_69 = vector.multi_reduction <add>, %mul3A_67, %reduce_sum3A_68 [0] : vector<128x4000xf32> to vector<4000xf32>
    %broadcast_in_dim3A_70 = vector.shape_cast %reduce_sum3A_69 : vector<4000xf32> to vector<1x4000xf32>
    %div3A_71 = arith.constant 1.280000e+02 : f32
    %div3A_72 = vector.broadcast %div3A_71 : f32 to vector<1x4000xf32>
    %div3A_73 = arith.divf %broadcast_in_dim3A_70, %div3A_72 : vector<1x4000xf32>
    %add3A_74 = arith.constant 9.99999974E-6 : f32
    %add3A_75 = vector.broadcast %add3A_74 : f32 to vector<1x4000xf32>
    %add3A_76 = arith.addf %div3A_73, %add3A_75 : vector<1x4000xf32>
    %rsqrt3A = math.rsqrt %add3A_76 : vector<1x4000xf32>
    %mul3A_77 = vector.broadcast %rsqrt3A : vector<1x4000xf32> to vector<128x4000xf32>
    %mul3A_78 = arith.mulf %sub3A_66, %mul3A_77 : vector<128x4000xf32>
    %get3A_79 = arith.constant 0 : index
    %get3A_80 = arith.constant 0 : index
    %get3A_81 = vector.load %arg8[%get3A_79, %get3A_80] : memref<128x1xf32, #tpu.memory_space<vmem>>, vector<128x1xf32>
    %mul3A_82 = vector.broadcast %get3A_81 : vector<128x1xf32> to vector<128x4000xf32>
    %mul3A_83 = arith.mulf %mul3A_78, %mul3A_82 : vector<128x4000xf32>
    %get3A_84 = arith.constant 0 : index
    %get3A_85 = arith.constant 0 : index
    %get3A_86 = vector.load %arg9[%get3A_84, %get3A_85] : memref<128x1xf32, #tpu.memory_space<vmem>>, vector<128x1xf32>
    %add3A_87 = vector.broadcast %get3A_86 : vector<128x1xf32> to vector<128x4000xf32>
    %add3A_88 = arith.addf %mul3A_83, %add3A_87 : vector<128x4000xf32>
    %transpose3A = tpu.transpose %add3A_88, [1, 0] : vector<128x4000xf32> -> vector<4000x128xf32>
    %swap3A = arith.constant 0 : index
    %swap3A_89 = arith.constant 0 : index
    %swap3A_90 = vector.load %arg10[%swap3A, %swap3A_89] : memref<4000x128xf32, #tpu.memory_space<vmem>>, vector<4000x128xf32>
    tpu.vector_store %arg10[%swap3A, %swap3A_89], %transpose3A {strides = array<i32>} : memref<4000x128xf32, #tpu.memory_space<vmem>>, vector<4000x128xf32>,
    return
  }
  func.func @transform_0(%arg0: i32) -> (i32, i32, i32) {
    %c0_i32 = arith.constant 0 : i32
    %c0_i32_0 = arith.constant 0 : i32
    %c0_i32_1 = arith.constant 0 : i32
    return %arg0, %c0_i32, %c0_i32_0 : i32, i32, i32
  }
  func.func @transform_1(%arg0: i32) -> (i32, i32) {
    %c0_i32 = arith.constant 0 : i32
    %c0_i32_0 = arith.constant 0 : i32
    %c0_i32_1 = arith.constant 0 : i32
    return %c0_i32, %c0_i32_0 : i32, i32
  }
  func.func @transform_2(%arg0: i32) -> (i32, i32) {
    %c0_i32 = arith.constant 0 : i32
    %c0_i32_0 = arith.constant 0 : i32
    %c0_i32_1 = arith.constant 0 : i32
    return %c0_i32, %c0_i32_0 : i32, i32
  }
  func.func @transform_3(%arg0: i32) -> (i32, i32) {
    %c0_i32 = arith.constant 0 : i32
    %c0_i32_0 = arith.constant 0 : i32
    %c0_i32_1 = arith.constant 0 : i32
    return %c0_i32, %c0_i32_0 : i32, i32
  }
  func.func @transform_4(%arg0: i32) -> (i32, i32) {
    %c0_i32 = arith.constant 0 : i32
    %c0_i32_0 = arith.constant 0 : i32
    %c0_i32_1 = arith.constant 0 : i32
    return %c0_i32, %c0_i32_0 : i32, i32
  }
  func.func @transform_5(%arg0: i32) -> (i32, i32) {
    %c0_i32 = arith.constant 0 : i32
    %c0_i32_0 = arith.constant 0 : i32
    %c0_i32_1 = arith.constant 0 : i32
    return %c0_i32, %c0_i32_0 : i32, i32
  }
  func.func @transform_6(%arg0: i32) -> (i32, i32) {
    %c0_i32 = arith.constant 0 : i32
    %c0_i32_0 = arith.constant 0 : i32
    %c0_i32_1 = arith.constant 0 : i32
    return %c0_i32, %c0_i32_0 : i32, i32
  }
  func.func @transform_7(%arg0: i32) -> (i32, i32) {
    %c0_i32 = arith.constant 0 : i32
    %c0_i32_0 = arith.constant 0 : i32
    %c0_i32_1 = arith.constant 0 : i32
    return %c0_i32, %c0_i32_0 : i32, i32
  }
  func.func @transform_8(%arg0: i32) -> (i32, i32) {
    %c0_i32 = arith.constant 0 : i32
    %c0_i32_0 = arith.constant 0 : i32
    %c0_i32_1 = arith.constant 0 : i32
    return %c0_i32, %c0_i32_0 : i32, i32
  }
  func.func @transform_9(%arg0: i32) -> (i32, i32) {
    %c0_i32 = arith.constant 0 : i32
    %c0_i32_0 = arith.constant 0 : i32
    return %arg0, %c0_i32 : i32, i32
  }
}

module attributes {stable_mosaic.version = 14 : i64} {
  func.func @_edge_kernel_alias(%arg0: i32, %arg1: memref<320000x128xf32, #tpu.memory_space<hbm>>, %arg2: memref<1x8x4000xf32, #tpu.memory_space<vmem>>, %arg3: memref<32x8xf32, #tpu.memory_space<vmem>>, %arg4: memref<32x1xf32, #tpu.memory_space<vmem>>, %arg5: memref<64x32xf32, #tpu.memory_space<vmem>>, %arg6: memref<64x1xf32, #tpu.memory_space<vmem>>, %arg7: memref<128x64xf32, #tpu.memory_space<vmem>>, %arg8: memref<128x1xf32, #tpu.memory_space<vmem>>, %arg9: memref<128x1xf32, #tpu.memory_space<vmem>>, %arg10: memref<128x1xf32, #tpu.memory_space<vmem>>, %arg11: memref<4000x128xf32, #tpu.memory_space<vmem>>) attributes {dimension_semantics = [#tpu.dimension_semantics<arbitrary>], iteration_bounds = array<i64: 40>, scalar_prefetch = 0 : i64, scratch_operands = 0 : i64, tpu.core_type = #tpu.core_type<tc>, window_params = [{}, {transform_indices = @transform_1, window_bounds = array<i64: 1, 8, 4000>}, {pipeline_mode = #tpu.pipeline_mode<synchronous>, transform_indices = @transform_2, window_bounds = array<i64: 32, 8>}, {pipeline_mode = #tpu.pipeline_mode<synchronous>, transform_indices = @transform_3, window_bounds = array<i64: 32, 1>}, {pipeline_mode = #tpu.pipeline_mode<synchronous>, transform_indices = @transform_4, window_bounds = array<i64: 64, 32>}, {pipeline_mode = #tpu.pipeline_mode<synchronous>, transform_indices = @transform_5, window_bounds = array<i64: 64, 1>}, {pipeline_mode = #tpu.pipeline_mode<synchronous>, transform_indices = @transform_6, window_bounds = array<i64: 128, 64>}, {pipeline_mode = #tpu.pipeline_mode<synchronous>, transform_indices = @transform_7, window_bounds = array<i64: 128, 1>}, {pipeline_mode = #tpu.pipeline_mode<synchronous>, transform_indices = @transform_8, window_bounds = array<i64: 128, 1>}, {pipeline_mode = #tpu.pipeline_mode<synchronous>, transform_indices = @transform_9, window_bounds = array<i64: 128, 1>}, {transform_indices = @transform_10, window_bounds = array<i64: 4000, 128>}]} {
    %get3A = arith.constant 0 : index
    %get3A_0 = arith.constant 0 : index
    %get3A_1 = arith.constant 0 : index
    %get3A_2 = vector.load %arg2[%get3A, %get3A_0, %get3A_1] : memref<1x8x4000xf32, #tpu.memory_space<vmem>>, vector<1x8x4000xf32>
    %reshape3A = vector.shape_cast %get3A_2 : vector<1x8x4000xf32> to vector<8x4000xf32>
    %slice3A = vector.extract_strided_slice %reshape3A {offsets = [0, 0], sizes = [4, 4000], strides = [1, 1]} : vector<8x4000xf32> to vector<4x4000xf32>
    %slice3A_3 = vector.extract_strided_slice %reshape3A {offsets = [4, 0], sizes = [4, 4000], strides = [1, 1]} : vector<8x4000xf32> to vector<4x4000xf32>
    %sub3A = arith.subf %slice3A, %slice3A_3 : vector<4x4000xf32>
    %slice3A_4 = vector.extract_strided_slice %sub3A {offsets = [0, 0], sizes = [1, 4000], strides = [1, 1]} : vector<4x4000xf32> to vector<1x4000xf32>
    %slice3A_5 = vector.extract_strided_slice %sub3A {offsets = [1, 0], sizes = [1, 4000], strides = [1, 1]} : vector<4x4000xf32> to vector<1x4000xf32>
    %slice3A_6 = vector.extract_strided_slice %sub3A {offsets = [2, 0], sizes = [1, 4000], strides = [1, 1]} : vector<4x4000xf32> to vector<1x4000xf32>
    %slice3A_7 = vector.extract_strided_slice %sub3A {offsets = [3, 0], sizes = [1, 4000], strides = [1, 1]} : vector<4x4000xf32> to vector<1x4000xf32>
    %mul3A = arith.mulf %slice3A_4, %slice3A_4 : vector<1x4000xf32>
    %mul3A_8 = arith.mulf %slice3A_5, %slice3A_5 : vector<1x4000xf32>
    %add3A = arith.addf %mul3A, %mul3A_8 : vector<1x4000xf32>
    %sqrt3A = math.sqrt %add3A : vector<1x4000xf32>
    %mul3A_9 = arith.mulf %slice3A_6, %slice3A_6 : vector<1x4000xf32>
    %mul3A_10 = arith.mulf %slice3A_7, %slice3A_7 : vector<1x4000xf32>
    %add3A_11 = arith.addf %mul3A_9, %mul3A_10 : vector<1x4000xf32>
    %sqrt3A_12 = math.sqrt %add3A_11 : vector<1x4000xf32>
    %mul3A_13 = arith.mulf %slice3A_6, %slice3A_4 : vector<1x4000xf32>
    %mul3A_14 = arith.mulf %slice3A_7, %slice3A_5 : vector<1x4000xf32>
    %add3A_15 = arith.addf %mul3A_13, %mul3A_14 : vector<1x4000xf32>
    %add3A_16 = arith.constant 9.99999997E-7 : f32
    %add3A_17 = vector.broadcast %add3A_16 : f32 to vector<1x4000xf32>
    %add3A_18 = arith.addf %sqrt3A_12, %add3A_17 : vector<1x4000xf32>
    %div3A = arith.divf %add3A_15, %add3A_18 : vector<1x4000xf32>
    %add3A_19 = arith.constant 9.99999997E-7 : f32
    %add3A_20 = vector.broadcast %add3A_19 : f32 to vector<1x4000xf32>
    %add3A_21 = arith.addf %sqrt3A, %add3A_20 : vector<1x4000xf32>
    %div3A_22 = arith.divf %div3A, %add3A_21 : vector<1x4000xf32>
    %slice3A_23 = vector.extract_strided_slice %sub3A {offsets = [0, 0], sizes = [2, 4000], strides = [1, 1]} : vector<4x4000xf32> to vector<2x4000xf32>
    %slice3A_24 = vector.extract_strided_slice %sub3A {offsets = [2, 0], sizes = [2, 4000], strides = [1, 1]} : vector<4x4000xf32> to vector<2x4000xf32>
    %broadcast_in_dim3A = arith.constant 0.000000e+00 : f32
    %broadcast_in_dim3A_25 = vector.broadcast %broadcast_in_dim3A : f32 to vector<1x4000xf32>
    %concatenate3A = tpu.concatenate %slice3A_23, %sqrt3A, %slice3A_24, %sqrt3A_12, %div3A_22, %broadcast_in_dim3A_25 in 0 : vector<2x4000xf32>, vector<1x4000xf32>, vector<2x4000xf32>, vector<1x4000xf32>, vector<1x4000xf32>, vector<1x4000xf32> -> vector<8x4000xf32>
    %get3A_26 = arith.constant 0 : index
    %get3A_27 = arith.constant 0 : index
    %get3A_28 = vector.load %arg3[%get3A_26, %get3A_27] : memref<32x8xf32, #tpu.memory_space<vmem>>, vector<32x8xf32>
    %dot_general3A = arith.constant dense<0.000000e+00> : vector<32x4000xf32>
    %dot_general3A_29 = tpu.matmul %get3A_28, %concatenate3A, %dot_general3A {dimension_numbers = #tpu.dot_dimension_numbers<[1], [0], [0], [1], [0, 0, 1, 1], [], []>, transpose_lhs_hint = false} : vector<32x8xf32>, vector<8x4000xf32>, vector<32x4000xf32> -> vector<32x4000xf32>
    %get3A_30 = arith.constant 0 : index
    %get3A_31 = arith.constant 0 : index
    %get3A_32 = vector.load %arg4[%get3A_30, %get3A_31] : memref<32x1xf32, #tpu.memory_space<vmem>>, vector<32x1xf32>
    %add3A_33 = vector.broadcast %get3A_32 : vector<32x1xf32> to vector<32x4000xf32>
    %add3A_34 = arith.addf %dot_general3A_29, %add3A_33 : vector<32x4000xf32>
    %max3A = arith.constant 0.000000e+00 : f32
    %max3A_35 = vector.broadcast %max3A : f32 to vector<32x4000xf32>
    %max3A_36 = arith.maximumf %add3A_34, %max3A_35 : vector<32x4000xf32>
    %get3A_37 = arith.constant 0 : index
    %get3A_38 = arith.constant 0 : index
    %get3A_39 = vector.load %arg5[%get3A_37, %get3A_38] : memref<64x32xf32, #tpu.memory_space<vmem>>, vector<64x32xf32>
    %dot_general3A_40 = arith.constant dense<0.000000e+00> : vector<64x4000xf32>
    %dot_general3A_41 = tpu.matmul %get3A_39, %max3A_36, %dot_general3A_40 {dimension_numbers = #tpu.dot_dimension_numbers<[1], [0], [0], [1], [0, 0, 1, 1], [], []>, transpose_lhs_hint = false} : vector<64x32xf32>, vector<32x4000xf32>, vector<64x4000xf32> -> vector<64x4000xf32>
    %get3A_42 = arith.constant 0 : index
    %get3A_43 = arith.constant 0 : index
    %get3A_44 = vector.load %arg6[%get3A_42, %get3A_43] : memref<64x1xf32, #tpu.memory_space<vmem>>, vector<64x1xf32>
    %add3A_45 = vector.broadcast %get3A_44 : vector<64x1xf32> to vector<64x4000xf32>
    %add3A_46 = arith.addf %dot_general3A_41, %add3A_45 : vector<64x4000xf32>
    %max3A_47 = arith.constant 0.000000e+00 : f32
    %max3A_48 = vector.broadcast %max3A_47 : f32 to vector<64x4000xf32>
    %max3A_49 = arith.maximumf %add3A_46, %max3A_48 : vector<64x4000xf32>
    %get3A_50 = arith.constant 0 : index
    %get3A_51 = arith.constant 0 : index
    %get3A_52 = vector.load %arg7[%get3A_50, %get3A_51] : memref<128x64xf32, #tpu.memory_space<vmem>>, vector<128x64xf32>
    %dot_general3A_53 = arith.constant dense<0.000000e+00> : vector<128x4000xf32>
    %dot_general3A_54 = tpu.matmul %get3A_52, %max3A_49, %dot_general3A_53 {dimension_numbers = #tpu.dot_dimension_numbers<[1], [0], [0], [1], [0, 0, 1, 1], [], []>, transpose_lhs_hint = false} : vector<128x64xf32>, vector<64x4000xf32>, vector<128x4000xf32> -> vector<128x4000xf32>
    %get3A_55 = arith.constant 0 : index
    %get3A_56 = arith.constant 0 : index
    %get3A_57 = vector.load %arg8[%get3A_55, %get3A_56] : memref<128x1xf32, #tpu.memory_space<vmem>>, vector<128x1xf32>
    %add3A_58 = vector.broadcast %get3A_57 : vector<128x1xf32> to vector<128x4000xf32>
    %add3A_59 = arith.addf %dot_general3A_54, %add3A_58 : vector<128x4000xf32>
    %reduce_sum3A = arith.constant dense<0.000000e+00> : vector<4000xf32>
    %reduce_sum3A_60 = vector.multi_reduction <add>, %add3A_59, %reduce_sum3A [0] : vector<128x4000xf32> to vector<4000xf32>
    %broadcast_in_dim3A_61 = vector.shape_cast %reduce_sum3A_60 : vector<4000xf32> to vector<1x4000xf32>
    %div3A_62 = arith.constant 1.280000e+02 : f32
    %div3A_63 = vector.broadcast %div3A_62 : f32 to vector<1x4000xf32>
    %div3A_64 = arith.divf %broadcast_in_dim3A_61, %div3A_63 : vector<1x4000xf32>
    %sub3A_65 = vector.broadcast %div3A_64 : vector<1x4000xf32> to vector<128x4000xf32>
    %sub3A_66 = arith.subf %add3A_59, %sub3A_65 : vector<128x4000xf32>
    %mul3A_67 = arith.mulf %sub3A_66, %sub3A_66 : vector<128x4000xf32>
    %reduce_sum3A_68 = arith.constant dense<0.000000e+00> : vector<4000xf32>
    %reduce_sum3A_69 = vector.multi_reduction <add>, %mul3A_67, %reduce_sum3A_68 [0] : vector<128x4000xf32> to vector<4000xf32>
    %broadcast_in_dim3A_70 = vector.shape_cast %reduce_sum3A_69 : vector<4000xf32> to vector<1x4000xf32>
    %div3A_71 = arith.constant 1.280000e+02 : f32
    %div3A_72 = vector.broadcast %div3A_71 : f32 to vector<1x4000xf32>
    %div3A_73 = arith.divf %broadcast_in_dim3A_70, %div3A_72 : vector<1x4000xf32>
    %add3A_74 = arith.constant 9.99999974E-6 : f32
    %add3A_75 = vector.broadcast %add3A_74 : f32 to vector<1x4000xf32>
    %add3A_76 = arith.addf %div3A_73, %add3A_75 : vector<1x4000xf32>
    %rsqrt3A = math.rsqrt %add3A_76 : vector<1x4000xf32>
    %mul3A_77 = vector.broadcast %rsqrt3A : vector<1x4000xf32> to vector<128x4000xf32>
    %mul3A_78 = arith.mulf %sub3A_66, %mul3A_77 : vector<128x4000xf32>
    %get3A_79 = arith.constant 0 : index
    %get3A_80 = arith.constant 0 : index
    %get3A_81 = vector.load %arg9[%get3A_79, %get3A_80] : memref<128x1xf32, #tpu.memory_space<vmem>>, vector<128x1xf32>
    %mul3A_82 = vector.broadcast %get3A_81 : vector<128x1xf32> to vector<128x4000xf32>
    %mul3A_83 = arith.mulf %mul3A_78, %mul3A_82 : vector<128x4000xf32>
    %get3A_84 = arith.constant 0 : index
    %get3A_85 = arith.constant 0 : index
    %get3A_86 = vector.load %arg10[%get3A_84, %get3A_85] : memref<128x1xf32, #tpu.memory_space<vmem>>, vector<128x1xf32>
    %add3A_87 = vector.broadcast %get3A_86 : vector<128x1xf32> to vector<128x4000xf32>
    %add3A_88 = arith.addf %mul3A_83, %add3A_87 : vector<128x4000xf32>
    %transpose3A = tpu.transpose %add3A_88, [1, 0] : vector<128x4000xf32> -> vector<4000x128xf32>
    %swap3A = arith.constant 0 : index
    %swap3A_89 = arith.constant 0 : index
    %swap3A_90 = vector.load %arg11[%swap3A, %swap3A_89] : memref<4000x128xf32, #tpu.memory_space<vmem>>, vector<4000x128xf32>
    tpu.vector_store %arg11[%swap3A, %swap3A_89], %transpose3A {strides = array<i32>} : memref<4000x128xf32, #tpu.memory_space<vmem>>, vector<4000x128xf32>,
    return
  }
  func.func @transform_1(%arg0: i32) -> (i32, i32, i32) {
    %c0_i32 = arith.constant 0 : i32
    %c0_i32_0 = arith.constant 0 : i32
    %c0_i32_1 = arith.constant 0 : i32
    return %arg0, %c0_i32, %c0_i32_0 : i32, i32, i32
  }
  func.func @transform_2(%arg0: i32) -> (i32, i32) {
    %c0_i32 = arith.constant 0 : i32
    %c0_i32_0 = arith.constant 0 : i32
    %c0_i32_1 = arith.constant 0 : i32
    return %c0_i32, %c0_i32_0 : i32, i32
  }
  func.func @transform_3(%arg0: i32) -> (i32, i32) {
    %c0_i32 = arith.constant 0 : i32
    %c0_i32_0 = arith.constant 0 : i32
    %c0_i32_1 = arith.constant 0 : i32
    return %c0_i32, %c0_i32_0 : i32, i32
  }
  func.func @transform_4(%arg0: i32) -> (i32, i32) {
    %c0_i32 = arith.constant 0 : i32
    %c0_i32_0 = arith.constant 0 : i32
    %c0_i32_1 = arith.constant 0 : i32
    return %c0_i32, %c0_i32_0 : i32, i32
  }
  func.func @transform_5(%arg0: i32) -> (i32, i32) {
    %c0_i32 = arith.constant 0 : i32
    %c0_i32_0 = arith.constant 0 : i32
    %c0_i32_1 = arith.constant 0 : i32
    return %c0_i32, %c0_i32_0 : i32, i32
  }
  func.func @transform_6(%arg0: i32) -> (i32, i32) {
    %c0_i32 = arith.constant 0 : i32
    %c0_i32_0 = arith.constant 0 : i32
    %c0_i32_1 = arith.constant 0 : i32
    return %c0_i32, %c0_i32_0 : i32, i32
  }
  func.func @transform_7(%arg0: i32) -> (i32, i32) {
    %c0_i32 = arith.constant 0 : i32
    %c0_i32_0 = arith.constant 0 : i32
    %c0_i32_1 = arith.constant 0 : i32
    return %c0_i32, %c0_i32_0 : i32, i32
  }
  func.func @transform_8(%arg0: i32) -> (i32, i32) {
    %c0_i32 = arith.constant 0 : i32
    %c0_i32_0 = arith.constant 0 : i32
    %c0_i32_1 = arith.constant 0 : i32
    return %c0_i32, %c0_i32_0 : i32, i32
  }
  func.func @transform_9(%arg0: i32) -> (i32, i32) {
    %c0_i32 = arith.constant 0 : i32
    %c0_i32_0 = arith.constant 0 : i32
    %c0_i32_1 = arith.constant 0 : i32
    return %c0_i32, %c0_i32_0 : i32, i32
  }
  func.func @transform_10(%arg0: i32) -> (i32, i32) {
    %add3A = arith.constant 40 : i32
    %add3A_0 = arith.addi %arg0, %add3A : i32
    %c0_i32 = arith.constant 0 : i32
    %c0_i32_1 = arith.constant 0 : i32
    return %add3A_0, %c0_i32 : i32, i32
  }
}

</mosaic_0001>

<sc_bundles>
// kernel: kernel.11.cloned.1.call-start
scs
__scs_entry_jumppad:
0x0: {  	(pc) =	sbr.rel $0x88, $3  }
0x1: {  	(tag) =	ssettag $0x0;
	lr =	simm.s32 $0x1  }
0x2: {  	[smem:$0x3F8D] =	sst lr;
	_ =	strace $0xD0000000  }
0x3: {  	_ = 	snop  }
0x4: {  	_ = 	snop  }
0x5: {  	_ = 	snop  }
0x6: {  	_ = 	snop  }
0x7: {  	_ = 	snop  }
__scs_overlays_trampoline_lowered:
0x8: {  	[smem:$0x3F9C] =	sst s0  }
0x9: {  	[smem:$0x3F9D] =	sst s1  }
0xa: {  	[smem:$0x3F9E] =	sst s2  }
0xb: {  	[smem:$0x3F9F] =	sst s3  }
0xc: {  	[smem:$0x3FA0] =	sst s4  }
0xd: {  	[smem:$0x3FA1] =	sst s5  }
0xe: {  	[smem:$0x3FA2] =	sst s6  }
0xf: {  	[smem:$0x3FA3] =	sst s7  }
0x10: {  	[smem:$0x3FA4] =	sst s8  }
0x11: {  	[smem:$0x3FA5] =	sst s9;
	s0 =	simm.s32 @!p0 $0x0  }
0x12: {  	s1 =	sld [smem:$0x3F8B];
	s0 =	simm.s32 @p0 $0x1  }
0x13: {  	[smem:$0x3FA6] =	sst s0;
	s0 =	simm.s32 @!p1 $0x0  }
0x14: {  	s2 =	sld [smem:$0x3F8A];
	s0 =	simm.s32 @p1 $0x1  }
0x15: {  	[smem:$0x3FA7] =	sst s0;
	s0 =	simm.s32 @!p2 $0x0  }
0x16: {  	s3 =	sld [smem:$0x3FDB];
	s0 =	simm.s32 @p2 $0x1  }
0x17: {  	s4 =	simm.s32 $0x1BF5;
	[smem:$0x3FA9] =	sst s0  }
0x18: {  	s0 =	sld [smem:$0x3F8C];
	_ =	swait.ge [sflag:s4], $0x0  }
0x19: {  	s7 =	sld [smem:$0x3F8D]  }
0x1a: {  	s8 =	sadd.s32 $0xFFFFE003, lr  }
0x1b: {  	s9 =	sadd.s32 $0xFFFFFEF7, lr;
	s5 =	simm.s32 $0xFFFFFFFF;
	p2 =	slt.u32 s8, $0xFFFFF086  }
0x1c: {  	p1 =	slt.u32 s9, $0xF7A;
	s5 =	simm.s32 @!p2 $0x0  }
0x1d: {  	s5 =	simm.s32 @p1 $0x1;
	p0 =	seq.s32 s7, s2  }
0x1e: {  	s7 =	smul.u32 @!p0 $0xF7A, s2;
	p2 =	seq.s32 @!p0 s5, $0x0  }
0x1f: {  	s9 =	smul.u32 $0xF7A, s1;
	s8 =	simm.s32 @!p0 $0x1BF5;
	p2 =	por !p2, p0  }
0x20: {  	[sflag:s8] =	ssyncset.s32 @!p0 $0xFFFFF086;
	s6 =	sadd.s32 @!p0 s3, s7;
	s7 =	simm.s32 @!p0 $0x108  }
0x21: {  	s3 =	sadd.s32 s3, s9;
	s6 =	sadd.s32 @!p0 $0x88, s6;
	s7 =	simm.s32 @p2 $0x1082  }
0x22: {  	[simem:s7], [sflag:s8] =	dma.local @!p0 [hbm:s6], $0xF7A  }
0x23: {  	s9 =	sor.u32 $0xD0000000, s2;
	s6 =	simm.s32 $0x108;
	_ =	swait.ge @!p0 [sflag:s8], $0x0  }
0x24: {  	s3 =	sadd.s32 $0x88, s3;
	s6 =	simm.s32 @!p1 $0x1082;
	[sflag:s4] =	ssyncset.s32 $0xFFFFF086  }
0x25: {  	[simem:s6], [sflag:s4] =	dma.local [hbm:s3], $0xF7A  }
0x26: {  	[smem:$0x3F8D] =	sst s1;
	(tag) =	ssettag s2;
	_ =	strace s9  }
0x27: {  	s1 =	sld [smem:$0x3F9D]  }
0x28: {  	s2 =	sld [smem:$0x3F9E]  }
0x29: {  	s4 =	sld [smem:$0x3FA0]  }
0x2a: {  	p0 =	seq.s32 s5, $0x0;
	s5 =	sld [smem:$0x3FA1]  }
0x2b: {  	s6 =	sld [smem:$0x3FA2]  }
0x2c: {  	s7 =	sld [smem:$0x3FA3]  }
0x2d: {  	s3 =	simm.s32 $0x108;
	s8 =	sld [smem:$0x3FA4]  }
0x2e: {  	s3 =	simm.s32 @!p0 $0x1082;
	s9 =	sld [smem:$0x3FA5]  }
0x2f: {  	lr =	sadd.s32 s0, s3;
	s0 =	sld [smem:$0x3F9C]  }
0x30: {  	s3 =	sld [smem:$0x3F9F]  }
0x31: {  	[smem:$0x3FA8] =	sst s10  }
0x32: {  	s10 =	sld [smem:$0x3FA6];
	_ =	sdelay $0x3  }
0x33: {  	p0 =	seq.s32 s10, $0x1;
	s10 =	sld [smem:$0x3FA8];
	_ =	sdelay $0x3  }
0x34: {  	[smem:$0x3FA8] =	sst s10  }
0x35: {  	s10 =	sld [smem:$0x3FA7];
	_ =	sdelay $0x3  }
0x36: {  	p1 =	seq.s32 s10, $0x1;
	s10 =	sld [smem:$0x3FA8];
	_ =	sdelay $0x3  }
0x37: {  	[smem:$0x3FA8] =	sst s10  }
0x38: {  	s10 =	sld [smem:$0x3FA9]  }
0x39: {  	_ = 	snop;
	(pc) =	sbr.ind lr, $3  }
0x3a: {  	_ = 	snop  }
0x3b: {  	_ = 	snop  }
0x3c: {  	p2 =	seq.s32 s10, $0x1;
	s10 =	sld [smem:$0x3FA8]  }
0x3d: {  	_ =	shalt  }
0x3e: {  	_ =	shalt  }
0x3f: {  	_ =	shalt  }
0x40: {  	_ =	shalt  }
0x41: {  	_ =	shalt  }
0x42: {  	_ =	shalt  }
0x43: {  	_ =	shalt  }
0x44: {  	_ =	shalt  }
0x45: {  	_ =	shalt  }
0x46: {  	_ =	shalt  }
0x47: {  	_ =	shalt  }
0x48: {  	_ =	shalt  }
0x49: {  	_ =	shalt  }
0x4a: {  	_ =	shalt  }
0x4b: {  	_ =	shalt  }
0x4c: {  	_ =	shalt  }
0x4d: {  	_ =	shalt  }
0x4e: {  	_ =	shalt  }
0x4f: {  	_ =	shalt  }
0x50: {  	_ =	shalt  }
0x51: {  	_ =	shalt  }
0x52: {  	_ =	shalt  }
0x53: {  	_ =	shalt  }
0x54: {  	_ =	shalt  }
0x55: {  	_ =	shalt  }
0x56: {  	_ =	shalt  }
0x57: {  	_ =	shalt  }
0x58: {  	_ =	shalt  }
0x59: {  	_ =	shalt  }
0x5a: {  	_ =	shalt  }
0x5b: {  	_ =	shalt  }
0x5c: {  	_ =	shalt  }
0x5d: {  	_ =	shalt  }
0x5e: {  	_ =	shalt  }
0x5f: {  	_ =	shalt  }
0x60: {  	_ =	shalt  }
0x61: {  	_ =	shalt  }
0x62: {  	_ =	shalt  }
0x63: {  	_ =	shalt  }
0x64: {  	_ =	shalt  }
0x65: {  	_ =	shalt  }
0x66: {  	_ =	shalt  }
0x67: {  	_ =	shalt  }
0x68: {  	_ =	shalt  }
0x69: {  	_ =	shalt  }
0x6a: {  	_ =	shalt  }
0x6b: {  	_ =	shalt  }
0x6c: {  	_ =	shalt  }
0x6d: {  	_ =	shalt  }
0x6e: {  	_ =	shalt  }
0x6f: {  	_ =	shalt  }
0x70: {  	_ =	shalt  }
0x71: {  	_ =	shalt  }
0x72: {  	_ =	shalt  }
0x73: {  	_ =	shalt  }
0x74: {  	_ =	shalt  }
0x75: {  	_ =	shalt  }
0x76: {  	_ =	shalt  }
0x77: {  	_ =	shalt  }
0x78: {  	_ =	shalt  }
0x79: {  	_ =	shalt  }
0x7a: {  	_ =	shalt  }
0x7b: {  	_ =	shalt  }
0x7c: {  	_ =	shalt  }
0x7d: {  	_ =	shalt  }
0x7e: {  	_ =	shalt  }
0x7f: {  	_ =	shalt  }
0x80: {  	_ =	shalt  }
0x81: {  	_ =	shalt  }
0x82: {  	_ =	shalt  }
0x83: {  	_ =	shalt  }
0x84: {  	_ =	shalt  }
0x85: {  	_ =	shalt  }
0x86: {  	_ =	shalt  }
0x87: {  	_ =	shalt  }
.Lfunc_end0:
.L_simem_size_0:
called_computation.1_lowered:
.L_overlay_start_0:
0x88: {  	s2 =	sld [smem:$0x3FD9]  }
0x89: {  	s3 =	sld [smem:$0x3FFE];
	_ =	sdelay $0x1  }
0x8a: {  	s1 =	srdreg.scid  }
0x8b: {  	s0 =	sand.u32 $0x1, s1  }
0x8c: {  	s15 =	sshll.u32 s0, $0xA;
	s2 =	sadd.s32 s3, s2  }
0x8d: {  	s2 =	sadd.s32 s2, s15  }
0x8e: {  	[smem:$0x3FB4] =	sst s2  }
0x8f: {  	_ = 	snop  }
0x90: {  	s2 =	sld [smem:$0x3FD0];
	_ =	sdelay $0x2  }
0x91: {  	s16 =	simm.s32 $0xB;
	s4 =	simm.s32 $0x10  }
0x92: {  	[smem:s4], [sflag:s16] =	dma.local [hbm:s2], $0x1  }
0x93: {  	_ =	swait.eq [sflag:s16], $0x1  }
0x94: {  	[sflag:s16] =	ssyncset.done $0x0  }
0x95: {  	[sflag:s16] =	ssyncadd.s32 $0xFFFFFFFF  }
0x96: {  	s17 =	sld [smem:$0x11];
	(tm) =	ssettm $0x1  }
0x97: {  	s18 =	sld [smem:$0x3FFB];
	_ =	sdelay $0x3  }
0x98: {  	_ =	strace s18  }
0x99: {  	s2 =	sld [smem:$0x3FFC];
	_ =	sdelay $0x3  }
0x9a: {  	_ =	strace s2  }
0x9b: {  	s2 =	sld [smem:$0x3FFD];
	_ =	sdelay $0x3  }
0x9c: {  	_ =	strace s2  }
0x9d: {  	_ =	strace $0x8FFFFFFF  }
0x9e: {  	s19 =	sld [smem:$0x3FDB];
	_ =	sdelay $0x1  }
0x9f: {  	s20 =	simm.s32 $_scs_section_size  }
0xa0: {  	s5 =	simm.s32 $_size__tile_overlayer_lowered;
	s6 =	simm.s32 $_tile_overlayer_lowered  }
0xa1: {  	s7 =	simm.s32 $0x1BFF;
	s21 =	sshll.u32 s6, $0x1;
	s4 =	sadd.s32 s20, s19  }
0xa2: {  	s22 =	simm.s32 $0x0;
	s5 =	sshll.u32 s5, $0x1;
	s6 =	sadd.s32 s21, s4  }
0xa3: {  	[timem:s22], [sflag:s7] =	dma.local [hbm:s6], s5  }
0xa4: {  	_ =	swait.ge [sflag:s7], s5  }
0xa5: {  	s5 =	ssub.s32 $0x0, s5;
	[sflag:s7] =	ssyncset.done $0x0  }
0xa6: {  	[sflag:s7] =	ssyncadd.s32 s5;
	_ =	sdelay $0x1  }
0xa7: {  	s23 =	simm.s32 $0x1B8B  }
0xa8: {  	_ =	swait.ge [sflag:s23], $0x1  }
0xa9: {  	[sflag:s23] =	ssyncset.done $0x0  }
0xaa: {  	[sflag:s23] =	ssyncadd.s32 $0xFFFFFFFF  }
0xab: {  	s5 =	sld [smem:$0x0]  }
0xac: {  	s6 =	sand.u32 $0xFFFFFFFE, s1  }
0xad: {  	p0 =	sne.s32 s1, s6  }
0xae: {  	s6 =	sshll.u32 @p0 s6, $0xE  }
0xaf: {  	s6 =	sadd.s32 @p0 $0x11B8D, s6;
	s7 =	sshll.u32 @p0 s5, $0x11  }
0xb0: {  	s6 =	sor.u32 @p0 s7, s6  }
0xb1: {  	[sflag:s6] =	ssyncadd.remote.s32 @p0 $0x1;
	_ =	sdelay $0x1  }
0xb2: {  	s6 =	simm.s32 @p0 $0x1B8D  }
0xb3: {  	_ =	swait.eq @p0 [sflag:s6], $0x1  }
0xb4: {  	[sflag:s6] =	ssyncadd.s32 @p0 $0xFFFFFFFF  }
0xb5: {  	s7 =	sshll.u32 @!p0 s1, $0xE  }
0xb6: {  	s7 =	sor.u32 @!p0 $0x4000, s7;
	s6 =	simm.s32 @!p0 $0x1B8D  }
0xb7: {  	s5 =	sshll.u32 @!p0 s5, $0x11;
	s7 =	sadd.s32 @!p0 $0x11B8D, s7;
	_ =	swait.eq @!p0 [sflag:s6], $0x1  }
0xb8: {  	s5 =	sor.u32 @!p0 s5, s7;
	[sflag:s6] =	ssyncadd.s32 @!p0 $0xFFFFFFFF  }
0xb9: {  	s25 =	simm.s32 $0x1B8E;
	s24 =	sld [smem:$0x3FFE];
	[sflag:s5] =	ssyncadd.remote.s32 @!p0 $0x1  }
0xba: {  	s26 =	simm.s32 $execute0_lowered;
	[smem:$0x3FD2] =	sst s25  }
0xbb: {  	s6 =	sshll.u32 s26, $0x1;
	_ =	strace $0x80000049;
	[dreg:$0x1] =	wrdreg $0xFFFFFFFF  }
0xbc: {  	s28 =	simm.s32 $_size_execute0_lowered;
	s4 =	sadd.s32 s4, s6;
	[dreg:$0x0] =	wrdreg $0x0  }
0xbd: {  	s6 =	sshll.u32 s28, $0x1;
	[dreg:$0x2] =	wrdreg s4  }
0xbe: {  	[dreg:$0x3] =	wrdreg s6  }
0xbf: {  	[dreg:$0x4] =	wrdreg $0xC0  }
0xc0: {  	_ =	task [dreg:s22], $0x5FFFF  }
0xc1: {  	[dreg:$0x1] =	wrdreg $0xFFFFFFFF  }
0xc2: {  	[dreg:$0x0] =	wrdreg $0x60  }
0xc3: {  	[dreg:$0x2] =	wrdreg s24  }
0xc4: {  	[dreg:$0x3] =	wrdreg s17  }
0xc5: {  	[dreg:$0x4] =	wrdreg $0x9C800  }
0xc6: {  	[dreg:$0x5] =	wrdreg $0xA  }
0xc7: {  	_ =	task.clear_ibuf [dreg:s22], $0x6FFFF;
	_ =	strace $0x90000049  }
0xc8: {  	s29 =	simm.s32 $0xA;
	_ =	strace $0x8000004B  }
0xc9: {  	_ =	swait.ge [sflag:s29], $0x1  }
0xca: {  	[sflag:s29] =	ssyncadd.s32 $0xFFFFFFFF  }
0xcb: {  	_ =	strace $0x9000004B  }
0xcc: {  	_ =	sfence  }
0xcd: {  	s30 =	sld [smem:$0x0];
	_ =	sdelay $0x2  }
0xce: {  	s31 =	sshll.u32 s1, $0xD;
	s1 =	sshrl.u32 s1, $0x2  }
0xcf: {  	s4 =	sand.u32 $0x4000, s31;
	s1 =	sadd.s32 s1, s30  }
0xd0: {  	s0 =	sor.u32 s4, s0;
	s1 =	sshll.u32 s1, $0x11  }
0xd1: {  	s0 =	sor.u32 s1, s0  }
0xd2: {  	s0 =	sadd.s32 $0x8F2B, s0  }
0xd3: {  	[sflag:s0] =	ssyncadd.remote.s32 $0x1  }
0xd4: {  	_ =	sfence.sel $0xFFFF  }
0xd5: {  	[dreg:$0x0] =	wrdreg $0xFFFFFFFF;
	(pc) =	sbr.abs _section_cstart, $3  }
0xd6: {  	[dreg:$0x1] =	wrdreg $0xFFFFFFFF  }
0xd7: {  	_ =	task.clear_ibuf [dreg:s22], $0x2FFFF;
	_ =	strace $0x9FFFFFFF  }
0xd8: {  	(tm) =	ssettm $0x7FFFFFFF  }
0xd9: {  	_ =	shalt  }
tec
execute0_lowered:
.L_overlay_start_1:
0x0: {  	(tag) =	ssettag $0x1  }
0x1: {  	s4 =	rddreg [dreg:$0x0]  }
0x2: {  	s5 =	rddreg [dreg:$0x1];
	s0 =	srdreg.scid  }
0x3: {  	s12 =	stileid.u32;
	s1 =	rddreg [dreg:$0x2];
	s2 =	simm.s32 $0x0  }
0x4: {  	s13 =	simm.s32 $0xB648;
	s14 =	simm.s32 $0x6;
	s15 =	simm.s32 $0x2  }
0x5: {  	s16 =	simm.s32 $0xE648;
	s17 =	simm.s32 $0x3;
	s18 =	simm.s32 $0x16648  }
0x6: {  	s19 =	simm.s32 $0x5;
	s20 =	simm.s32 $0x4;
	s21 =	simm.s32 $0x0  }
0x7: {  	s6 =	sand.u32 $0x1, s0;
	s3 =	sshll.u32 s12, $0x1;
	s0 =	rddreg [dreg:$0x3]  }
0x8: {  	[smem:$0x7FF] =	sst s2;
	p0 =	sne.s32 s12, $0x0;
	p1 =	sgt.u32 s12, $0x3  }
0x9: {  	s12 =	simm.s32 $0xA648;
	s7 =	sor.u32 s6, s3;
	_ =	strace $0x8000004A  }
0xa: {  	s3 =	sadd.s32 $0x3400, s4;
	s6 =	ssub.s32 $0x2, s6;
	s8 =	smul.u32 $0xFA0, s7  }
.Ltmp0:
0xb: {  	s11 =	sshrl.u32 @!p0 s1, $0x3;
	s30 =	sshrl.u32 s6, $0x1;
	(pc) =	sbr.rel .LBB2_1-.Ltmp0, $4  }
0xc: {  	s7 =	sshll.u32 s7, $0xC;
	s10 =	ssub.s32 s6, s30;
	s8 =	sshrl.u32 s8, $0x3  }
0xd: {  	s9 =	sadd.s32 s7, s4;
	s10 =	smax.u32 s10, $0x1;
	s31 =	sadd.s32 s5, s8  }
0xe: {  	s8 =	sadd.s32 $0x4800, s9;
	s9 =	sadd.s32 $0x24800, s9;
	s4 =	sadd.s32 $0x4E20, s31  }
0xf: {  	s5 =	sadd.s32 $0xEA60, s31;
	s6 =	sadd.s32 $0x8CA0, s31;
	s7 =	sadd.s32 $0x128E0, s31  }
.LBB2_6:
0x10: {  	[tilespmem:s28+$0x16648] =	vst v0  }
0x11: {  	[hbm4b:s9+s2] =	stream.linear.scatter [tilespmem:s18], [sflag:$0x5], $0x8000, $0x38;
	[tilespmem:$0x1E648] =	vst v63  }
0x12: {  	_ =	swait.ge [sflag:s19], $0x8000  }
0x13: {  	[sflag:s19] =	ssyncset.done $0x0  }
0x14: {  	[sflag:s19] =	ssyncadd.s32 $0xFFFF8000  }
.LBB2_7:
0x15: {  	s21 =	sadd.s32 $0x1, s21  }
0x16: {  	p2 =	sne.s32 s21, s10  }
.Ltmp1:
0x17: {  	_ = 	snop;
	(pc) =	sbr.rel @!p2 .LBB2_8-.Ltmp1, $4  }
0x18: {  	_ = 	snop  }
0x19: {  	_ =	swait.ge [sflag:s20], $0x8000  }
0x1a: {  	[sflag:s20] =	ssyncset.done $0x0  }
0x1b: {  	[sflag:s20] =	ssyncadd.s32 $0xFFFF8000  }
.LBB2_1:
0x1c: {  	s22 =	simm.s32 @!p0 $0x1C01  }
0x1d: {  	[spmem:s11], [sflag:s22] =	dma.local @!p0 [hbm:s3], $0x1390  }
0x1e: {  	s22 =	simm.s32 @!p0 $0x1  }
0x1f: {  	_ =	swait.ge @!p0 [sflag:s22], $0x1390  }
0x20: {  	[sflag:s22] =	ssyncset.done @!p0 $0x0  }
0x21: {  	[sflag:s22] =	ssyncadd.s32 @!p0 $0xFFFFEC70  }
0x22: {  	[tilespmem:s12], [sflag:$0x2] =	stream.linear.gather [hbm4b:s4+s2], $0xFA0, $0x38;
	[tilespmem:$0x1E648] =	vst v63  }
0x23: {  	_ = 	snop  }
0x24: {  	[tilespmem:s13], [sflag:$0x2] =	stream.linear.gather [hbm4b:s5+s2], $0xFA0, $0x38;
	[tilespmem:$0x1E648] =	vst v63  }
0x25: {  	s23 =	simm.s32 @!p1 $0xC648;
	s22 =	simm.s32 @!p1 $0x0  }
0x26: {  	[tilespmem:s23], [sflag:$0x3] =	stream.linear.gather @!p1 [hbm4b:s6+s22], $0xFA0, $0x38;
	[tilespmem:$0x1E648] =	vst v63  }
0x27: {  	s23 =	simm.s32 @!p1 $0xD648  }
0x28: {  	[tilespmem:s23], [sflag:$0x3] =	stream.linear.gather @!p1 [hbm4b:s7+s22], $0xFA0, $0x38;
	[tilespmem:$0x1E648] =	vst v63  }
0x29: {  	[bflag:$0x0] =	sbarrier.arrive $0xFFFF  }
0x2a: {  	[tilespmem:s2], [sflag:$0x6] =	stream.linear.gather [spmem:s1], $0x9C80, $0x38;
	[tilespmem:$0x1E648] =	vst v63  }
0x2b: {  	_ =	swait.ge [sflag:s14], $0x9C80  }
0x2c: {  	[sflag:s14] =	ssyncset.done $0x0  }
0x2d: {  	[sflag:s14] =	ssyncadd.s32 $0xFFFF6380  }
0x2e: {  	_ =	swait.ge [sflag:s15], $0xFA0  }
0x2f: {  	[sflag:s15] =	ssyncset.done $0x0  }
0x30: {  	[sflag:s15] =	ssyncadd.s32 $0xFFFFF060  }
0x31: {  	_ =	swait.ge [sflag:s15], $0xFA0  }
0x32: {  	[sflag:s15] =	ssyncset.done $0x0  }
0x33: {  	[sflag:s15] =	ssyncadd.s32 $0xFFFFF060  }
0x34: {  	v0 =	vld [tilespmem:s12+$0x0];
	_ =	sdelay $0x4  }
0x35: {  	v0 =	vshll.u32 v0, $0x2  }
0x36: {  	v1 =	vld [tilespmem:s13+$0x0];
	_ =	sdelay $0x3  }
0x37: {  	v2 =	vld.idx.msk [tilespmem:v0+s2+$0x0], $0xffff  }
0x38: {  	v1 =	vshll.u32 v1, $0x2;
	_ =	sdelay $0x1  }
0x39: {  	s29 =	sand.u32 $0x70, s2;
	s30 =	sand.u32 $0x7C00, s2  }
0x3a: {  	s23 =	sor.u32 s29, s30  }
0x3b: {  	[tilespmem:s23+$0xE648] =	vst v2  }
0x3c: {  	v2 =	vld.idx.msk [tilespmem:v1+s2+$0x0], $0xffff  }
0x3d: {  	v3 =	vor.u32 $0x1, v0;
	_ =	sdelay $0x3  }
0x3e: {  	[tilespmem:s23+$0xE848] =	vst v2  }
0x3f: {  	v2 =	vld.idx.msk [tilespmem:v3+s2+$0x0], $0xffff  }
0x40: {  	v3 =	vor.u32 $0x1, v1;
	_ =	sdelay $0x3  }
0x41: {  	[tilespmem:s23+$0xE6C8] =	vst v2  }
0x42: {  	v2 =	vld.idx.msk [tilespmem:v3+s2+$0x0], $0xffff  }
0x43: {  	v3 =	vor.u32 $0x2, v0;
	_ =	sdelay $0x3  }
0x44: {  	[tilespmem:s23+$0xE8C8] =	vst v2  }
0x45: {  	v2 =	vld.idx.msk [tilespmem:v3+s2+$0x0], $0xffff  }
0x46: {  	v3 =	vor.u32 $0x2, v1;
	_ =	sdelay $0x3  }
0x47: {  	[tilespmem:s23+$0xE748] =	vst v2  }
0x48: {  	v2 =	vld.idx.msk [tilespmem:v3+s2+$0x0], $0xffff  }
0x49: {  	v0 =	vor.u32 $0x3, v0;
	_ =	sdelay $0x3  }
0x4a: {  	[tilespmem:s23+$0xE948] =	vst v2  }
0x4b: {  	v0 =	vld.idx.msk [tilespmem:v0+s2+$0x0], $0xffff  }
0x4c: {  	v1 =	vor.u32 $0x3, v1;
	_ =	sdelay $0x3  }
0x4d: {  	[tilespmem:s23+$0xE7C8] =	vst v0  }
0x4e: {  	v0 =	vld.idx.msk [tilespmem:v1+s2+$0x0], $0xffff  }
0x4f: {  	s31 =	sand.u32 $0x7, s2  }
0x50: {  	s25 =	simm.s32 $0x0;
	s22 =	sshll.u32 s31, $0x4  }
0x51: {  	s26 =	simm.s32 $0xA648;
	s24 =	sadd.s32 $0x0, s22;
	s22 =	simm.s32 $0x10  }
0x52: {  	s28 =	sor.u32 $0x380, s24;
	s24 =	simm.s32 $0x0;
	s23 =	simm.s32 $0xB658  }
.LBB2_2:
0x53: {  	[tilespmem:s28+$0xE648] =	vst v0;
	s24 =	sadd.s32 $0x80, s24;
	s25 =	sadd.s32 $0x1, s25;
	s26 =	sadd.s32 $0x10, s26  }
0x54: {  	p2 =	sne.s32 s22, $0xF90;
	s28 =	smov.u32 s22;
	s22 =	sadd.s32 $0x10, s22;
	v0 =	vld [tilespmem:s26+$0x0]  }
0x55: {  	_ =	sdelay $0x3  }
0x56: {  	v0 =	vshll.u32 v0, $0x2;
	_ =	sdelay $0x1  }
0x57: {  	v1 =	vld [tilespmem:s23+$0x0];
	_ =	sdelay $0x2  }
0x58: {  	v2 =	vld.idx.msk [tilespmem:v0+s2+$0x0], $0xffff;
	_ =	sdelay $0x1  }
0x59: {  	v1 =	vshll.u32 v1, $0x2;
	_ =	sdelay $0x1  }
0x5a: {  	s28 =	sand.u32 $0x70, s28;
	s29 =	sand.u32 $0x7C00, s24  }
0x5b: {  	s28 =	sor.u32 s28, s29  }
0x5c: {  	[tilespmem:s28+$0xE648] =	vst v2  }
0x5d: {  	v2 =	vld.idx.msk [tilespmem:v1+s2+$0x0], $0xffff;
	_ =	sdelay $0x1  }
0x5e: {  	v3 =	vor.u32 $0x1, v0;
	_ =	sdelay $0x3  }
0x5f: {  	[tilespmem:s28+$0xE848] =	vst v2  }
0x60: {  	v2 =	vld.idx.msk [tilespmem:v3+s2+$0x0], $0xffff;
	_ =	sdelay $0x1  }
0x61: {  	v3 =	vor.u32 $0x1, v1;
	_ =	sdelay $0x3  }
0x62: {  	[tilespmem:s28+$0xE6C8] =	vst v2  }
0x63: {  	v2 =	vld.idx.msk [tilespmem:v3+s2+$0x0], $0xffff;
	_ =	sdelay $0x1  }
0x64: {  	v3 =	vor.u32 $0x2, v0;
	_ =	sdelay $0x3  }
0x65: {  	[tilespmem:s28+$0xE8C8] =	vst v2  }
0x66: {  	v2 =	vld.idx.msk [tilespmem:v3+s2+$0x0], $0xffff;
	_ =	sdelay $0x1  }
0x67: {  	v3 =	vor.u32 $0x2, v1;
	_ =	sdelay $0x3  }
0x68: {  	[tilespmem:s28+$0xE748] =	vst v2  }
0x69: {  	v2 =	vld.idx.msk [tilespmem:v3+s2+$0x0], $0xffff;
	_ =	sdelay $0x1  }
0x6a: {  	v0 =	vor.u32 $0x3, v0;
	_ =	sdelay $0x3  }
0x6b: {  	[tilespmem:s28+$0xE948] =	vst v2  }
0x6c: {  	v0 =	vld.idx.msk [tilespmem:v0+s2+$0x0], $0xffff;
	_ =	sdelay $0x1  }
0x6d: {  	v1 =	vor.u32 $0x3, v1;
	_ =	sdelay $0x3  }
0x6e: {  	[tilespmem:s28+$0xE7C8] =	vst v0  }
0x6f: {  	v0 =	vld.idx.msk [tilespmem:v1+s2+$0x0], $0xffff  }
.Ltmp2:
0x70: {  	(pc) =	sbr.rel @p2 .LBB2_2-.Ltmp2, $4  }
0x71: {  	s28 =	sand.u32 $0x7, s25  }
0x72: {  	s28 =	sshll.u32 s28, $0x4  }
0x73: {  	s28 =	sadd.s32 s28, s24  }
0x74: {  	s23 =	sadd.s32 $0x10, s23;
	s28 =	sor.u32 $0x380, s28  }
.Ltmp3:
0x75: {  	(pc) =	sbr.rel @p1 .LBB2_7-.Ltmp3, $3  }
0x76: {  	_ =	sdelay $0x1  }
0x77: {  	[tilespmem:s28+$0xE648] =	vst v0  }
0x78: {  	[hbm4b:s8+s2] =	stream.linear.scatter [tilespmem:s16], [sflag:$0x4], $0x8000, $0x38;
	[tilespmem:$0x1E648] =	vst v63  }
0x79: {  	_ =	swait.ge [sflag:s17], $0xFA0  }
0x7a: {  	[sflag:s17] =	ssyncset.done $0x0  }
0x7b: {  	[sflag:s17] =	ssyncadd.s32 $0xFFFFF060  }
0x7c: {  	_ =	swait.ge [sflag:s17], $0xFA0  }
0x7d: {  	[sflag:s17] =	ssyncset.done $0x0  }
0x7e: {  	s22 =	simm.s32 $0xC648;
	[sflag:s17] =	ssyncadd.s32 $0xFFFFF060  }
0x7f: {  	v0 =	vld [tilespmem:s22+$0x0];
	_ =	sdelay $0x4  }
0x80: {  	s23 =	simm.s32 $0xD648;
	v0 =	vshll.u32 v0, $0x2  }
0x81: {  	v1 =	vld [tilespmem:s23+$0x0];
	_ =	sdelay $0x3  }
0x82: {  	v2 =	vld.idx.msk [tilespmem:v0+s2+$0x0], $0xffff  }
0x83: {  	v1 =	vshll.u32 v1, $0x2  }
0x84: {  	s23 =	simm.s32 $0x0  }
0x85: {  	s24 =	sand.u32 $0x70, s23;
	s25 =	sand.u32 $0x7C00, s23  }
0x86: {  	s24 =	sor.u32 s24, s25  }
0x87: {  	[tilespmem:s24+$0x16648] =	vst v2  }
0x88: {  	v2 =	vld.idx.msk [tilespmem:v1+s2+$0x0], $0xffff  }
0x89: {  	v3 =	vor.u32 $0x1, v0;
	_ =	sdelay $0x2  }
0x8a: {  	s25 =	sadd.s32 $0x16648, s24  }
0x8b: {  	[tilespmem:s25+$0x200] =	vst v2  }
0x8c: {  	v2 =	vld.idx.msk [tilespmem:v3+s2+$0x0], $0xffff  }
0x8d: {  	v3 =	vor.u32 $0x1, v1;
	_ =	sdelay $0x3  }
0x8e: {  	[tilespmem:s25+$0x80] =	vst v2  }
0x8f: {  	v2 =	vld.idx.msk [tilespmem:v3+s2+$0x0], $0xffff  }
0x90: {  	v3 =	vor.u32 $0x2, v0;
	_ =	sdelay $0x3  }
0x91: {  	[tilespmem:s25+$0x280] =	vst v2  }
0x92: {  	v2 =	vld.idx.msk [tilespmem:v3+s2+$0x0], $0xffff  }
0x93: {  	v3 =	vor.u32 $0x2, v1;
	_ =	sdelay $0x3  }
0x94: {  	[tilespmem:s25+$0x100] =	vst v2  }
0x95: {  	v2 =	vld.idx.msk [tilespmem:v3+s2+$0x0], $0xffff  }
0x96: {  	v0 =	vor.u32 $0x3, v0;
	_ =	sdelay $0x3  }
0x97: {  	[tilespmem:s25+$0x300] =	vst v2  }
0x98: {  	v0 =	vld.idx.msk [tilespmem:v0+s2+$0x0], $0xffff  }
0x99: {  	v1 =	vor.u32 $0x3, v1;
	_ =	sdelay $0x3  }
0x9a: {  	[tilespmem:s25+$0x180] =	vst v0  }
0x9b: {  	v0 =	vld.idx.msk [tilespmem:v1+s2+$0x0], $0xffff  }
0x9c: {  	s30 =	sand.u32 $0x7, s23  }
0x9d: {  	s26 =	sshll.u32 s30, $0x4  }
0x9e: {  	s31 =	sadd.s32 $0x0, s26;
	s26 =	simm.s32 $0x0  }
0x9f: {  	s28 =	sor.u32 $0x380, s31;
	s24 =	simm.s32 $0x10;
	s25 =	simm.s32 $0xD658  }
.LBB2_5:
0xa0: {  	[tilespmem:s28+$0x16648] =	vst v0;
	s23 =	sadd.s32 $0x80, s23;
	s26 =	sadd.s32 $0x1, s26;
	s22 =	sadd.s32 $0x10, s22  }
0xa1: {  	p2 =	sne.s32 s24, $0xF90;
	s28 =	smov.u32 s24;
	s24 =	sadd.s32 $0x10, s24;
	v0 =	vld [tilespmem:s22+$0x0]  }
0xa2: {  	_ =	sdelay $0x3  }
0xa3: {  	v0 =	vshll.u32 v0, $0x2;
	_ =	sdelay $0x1  }
0xa4: {  	v1 =	vld [tilespmem:s25+$0x0];
	_ =	sdelay $0x2  }
0xa5: {  	v2 =	vld.idx.msk [tilespmem:v0+s2+$0x0], $0xffff;
	_ =	sdelay $0x1  }
0xa6: {  	v1 =	vshll.u32 v1, $0x2;
	_ =	sdelay $0x1  }
0xa7: {  	s28 =	sand.u32 $0x70, s28;
	s29 =	sand.u32 $0x7C00, s23  }
0xa8: {  	s28 =	sor.u32 s28, s29  }
0xa9: {  	[tilespmem:s28+$0x16648] =	vst v2  }
0xaa: {  	v2 =	vld.idx.msk [tilespmem:v1+s2+$0x0], $0xffff;
	_ =	sdelay $0x1  }
0xab: {  	v3 =	vor.u32 $0x1, v0;
	_ =	sdelay $0x2  }
0xac: {  	s28 =	sadd.s32 $0x16648, s28  }
0xad: {  	[tilespmem:s28+$0x200] =	vst v2  }
0xae: {  	v2 =	vld.idx.msk [tilespmem:v3+s2+$0x0], $0xffff;
	_ =	sdelay $0x1  }
0xaf: {  	v3 =	vor.u32 $0x1, v1;
	_ =	sdelay $0x3  }
0xb0: {  	[tilespmem:s28+$0x80] =	vst v2  }
0xb1: {  	v2 =	vld.idx.msk [tilespmem:v3+s2+$0x0], $0xffff;
	_ =	sdelay $0x1  }
0xb2: {  	v3 =	vor.u32 $0x2, v0;
	_ =	sdelay $0x3  }
0xb3: {  	[tilespmem:s28+$0x280] =	vst v2  }
0xb4: {  	v2 =	vld.idx.msk [tilespmem:v3+s2+$0x0], $0xffff;
	_ =	sdelay $0x1  }
0xb5: {  	v3 =	vor.u32 $0x2, v1;
	_ =	sdelay $0x3  }
0xb6: {  	[tilespmem:s28+$0x100] =	vst v2  }
0xb7: {  	v2 =	vld.idx.msk [tilespmem:v3+s2+$0x0], $0xffff;
	_ =	sdelay $0x1  }
0xb8: {  	v0 =	vor.u32 $0x3, v0;
	_ =	sdelay $0x3  }
0xb9: {  	[tilespmem:s28+$0x300] =	vst v2  }
0xba: {  	v0 =	vld.idx.msk [tilespmem:v0+s2+$0x0], $0xffff;
	_ =	sdelay $0x1  }
0xbb: {  	v1 =	vor.u32 $0x3, v1;
	_ =	sdelay $0x3  }
0xbc: {  	[tilespmem:s28+$0x180] =	vst v0  }
0xbd: {  	v0 =	vld.idx.msk [tilespmem:v1+s2+$0x0], $0xffff  }
.Ltmp4:
0xbe: {  	(pc) =	sbr.rel @p2 .LBB2_5-.Ltmp4, $4  }
0xbf: {  	s28 =	sand.u32 $0x7, s26  }
0xc0: {  	s28 =	sshll.u32 s28, $0x4  }
0xc1: {  	s28 =	sadd.s32 s28, s23  }
0xc2: {  	s25 =	sadd.s32 $0x10, s25;
	s28 =	sor.u32 $0x380, s28  }
.Ltmp5:
0xc3: {  	_ = 	snop;
	(pc) =	sbr.rel .LBB2_6-.Ltmp5, $1  }
0xc4: {  	_ =	sdelay $0x3  }
.LBB2_8:
0xc5: {  	_ =	sfence.sel $0x180000  }
0xc6: {  	[bflag:$0x0] =	sbarrier.arrive $0xFFFF  }
0xc7: {  	_ =	strace $0x9000004A  }
0xc8: {  	s0 =	sadd.s32 @!p0 $0x100000, s0;
	[bflag:$0x2] =	sbarrier.arrive $0xFFFF  }
0xc9: {  	[sflag:s0] =	ssyncadd.tile.s32 @!p0 $0x1;
	_ =	shalt  }
.Lfunc_end2:
_tile_overlayer_lowered:
.L_overlay_start_2:
0xca: {  	(tag) =	ssettag $0x2  }
0xcb: {  	s0 =	rddreg [dreg:$0x0];
	s2 =	stileid.u32  }
0xcc: {  	s1 =	rddreg [dreg:$0x1];
	p0 =	sne.s32 s2, $0x0  }
0xcd: {  	s3 =	rddreg [dreg:$0x2];
	[bflag:$0x3] =	sbarrier.arrive $0xFFFF;
	s2 =	simm.s32 @!p0 $0x1C06  }
0xce: {  	[timem:s3], [sflag:s2] =	dma.local @!p0 [hbm:s0], s1  }
0xcf: {  	s0 =	simm.s32 @!p0 $0x6  }
0xd0: {  	_ =	swait.ge @!p0 [sflag:s0], s1  }
0xd1: {  	s1 =	ssub.s32 @!p0 $0x0, s1;
	[sflag:s0] =	ssyncset.done @!p0 $0x0  }
0xd2: {  	[sflag:s0] =	ssyncadd.s32 @!p0 s1  }
0xd3: {  	[bflag:$0x3] =	sbarrier.arrive $0xFFFF  }
0xd4: {  	_ =	shalt  }

// kernel: kernel.8.cloned.1.call-start
scs
__scs_entry_jumppad:
0x0: {  	(pc) =	sbr.rel $0x88, $3  }
0x1: {  	(tag) =	ssettag $0x0;
	lr =	simm.s32 $0x1  }
0x2: {  	[smem:$0x3F8D] =	sst lr;
	_ =	strace $0xD0000000  }
0x3: {  	_ = 	snop  }
0x4: {  	_ = 	snop  }
0x5: {  	_ = 	snop  }
0x6: {  	_ = 	snop  }
0x7: {  	_ = 	snop  }
__scs_overlays_trampoline_lowered:
0x8: {  	[smem:$0x3F9C] =	sst s0  }
0x9: {  	[smem:$0x3F9D] =	sst s1  }
0xa: {  	[smem:$0x3F9E] =	sst s2  }
0xb: {  	[smem:$0x3F9F] =	sst s3  }
0xc: {  	[smem:$0x3FA0] =	sst s4  }
0xd: {  	[smem:$0x3FA1] =	sst s5  }
0xe: {  	[smem:$0x3FA2] =	sst s6  }
0xf: {  	[smem:$0x3FA3] =	sst s7  }
0x10: {  	[smem:$0x3FA4] =	sst s8  }
0x11: {  	[smem:$0x3FA5] =	sst s9;
	s0 =	simm.s32 @!p0 $0x0  }
0x12: {  	s1 =	sld [smem:$0x3F8B];
	s0 =	simm.s32 @p0 $0x1  }
0x13: {  	[smem:$0x3FA6] =	sst s0;
	s0 =	simm.s32 @!p1 $0x0  }
0x14: {  	s2 =	sld [smem:$0x3F8A];
	s0 =	simm.s32 @p1 $0x1  }
0x15: {  	[smem:$0x3FA7] =	sst s0;
	s0 =	simm.s32 @!p2 $0x0  }
0x16: {  	s3 =	sld [smem:$0x3FDB];
	s0 =	simm.s32 @p2 $0x1  }
0x17: {  	s4 =	simm.s32 $0x1BF5;
	[smem:$0x3FA9] =	sst s0  }
0x18: {  	s0 =	sld [smem:$0x3F8C];
	_ =	swait.ge [sflag:s4], $0x0  }
0x19: {  	s7 =	sld [smem:$0x3F8D]  }
0x1a: {  	s8 =	sadd.s32 $0xFFFFE003, lr  }
0x1b: {  	s9 =	sadd.s32 $0xFFFFFEF7, lr;
	s5 =	simm.s32 $0xFFFFFFFF;
	p2 =	slt.u32 s8, $0xFFFFF086  }
0x1c: {  	p1 =	slt.u32 s9, $0xF7A;
	s5 =	simm.s32 @!p2 $0x0  }
0x1d: {  	s5 =	simm.s32 @p1 $0x1;
	p0 =	seq.s32 s7, s2  }
0x1e: {  	s7 =	smul.u32 @!p0 $0xF7A, s2;
	p2 =	seq.s32 @!p0 s5, $0x0  }
0x1f: {  	s9 =	smul.u32 $0xF7A, s1;
	s8 =	simm.s32 @!p0 $0x1BF5;
	p2 =	por !p2, p0  }
0x20: {  	[sflag:s8] =	ssyncset.s32 @!p0 $0xFFFFF086;
	s6 =	sadd.s32 @!p0 s3, s7;
	s7 =	simm.s32 @!p0 $0x108  }
0x21: {  	s3 =	sadd.s32 s3, s9;
	s6 =	sadd.s32 @!p0 $0x88, s6;
	s7 =	simm.s32 @p2 $0x1082  }
0x22: {  	[simem:s7], [sflag:s8] =	dma.local @!p0 [hbm:s6], $0xF7A  }
0x23: {  	s9 =	sor.u32 $0xD0000000, s2;
	s6 =	simm.s32 $0x108;
	_ =	swait.ge @!p0 [sflag:s8], $0x0  }
0x24: {  	s3 =	sadd.s32 $0x88, s3;
	s6 =	simm.s32 @!p1 $0x1082;
	[sflag:s4] =	ssyncset.s32 $0xFFFFF086  }
0x25: {  	[simem:s6], [sflag:s4] =	dma.local [hbm:s3], $0xF7A  }
0x26: {  	[smem:$0x3F8D] =	sst s1;
	(tag) =	ssettag s2;
	_ =	strace s9  }
0x27: {  	s1 =	sld [smem:$0x3F9D]  }
0x28: {  	s2 =	sld [smem:$0x3F9E]  }
0x29: {  	s4 =	sld [smem:$0x3FA0]  }
0x2a: {  	p0 =	seq.s32 s5, $0x0;
	s5 =	sld [smem:$0x3FA1]  }
0x2b: {  	s6 =	sld [smem:$0x3FA2]  }
0x2c: {  	s7 =	sld [smem:$0x3FA3]  }
0x2d: {  	s3 =	simm.s32 $0x108;
	s8 =	sld [smem:$0x3FA4]  }
0x2e: {  	s3 =	simm.s32 @!p0 $0x1082;
	s9 =	sld [smem:$0x3FA5]  }
0x2f: {  	lr =	sadd.s32 s0, s3;
	s0 =	sld [smem:$0x3F9C]  }
0x30: {  	s3 =	sld [smem:$0x3F9F]  }
0x31: {  	[smem:$0x3FA8] =	sst s10  }
0x32: {  	s10 =	sld [smem:$0x3FA6];
	_ =	sdelay $0x3  }
0x33: {  	p0 =	seq.s32 s10, $0x1;
	s10 =	sld [smem:$0x3FA8];
	_ =	sdelay $0x3  }
0x34: {  	[smem:$0x3FA8] =	sst s10  }
0x35: {  	s10 =	sld [smem:$0x3FA7];
	_ =	sdelay $0x3  }
0x36: {  	p1 =	seq.s32 s10, $0x1;
	s10 =	sld [smem:$0x3FA8];
	_ =	sdelay $0x3  }
0x37: {  	[smem:$0x3FA8] =	sst s10  }
0x38: {  	s10 =	sld [smem:$0x3FA9]  }
0x39: {  	_ = 	snop;
	(pc) =	sbr.ind lr, $3  }
0x3a: {  	_ = 	snop  }
0x3b: {  	_ = 	snop  }
0x3c: {  	p2 =	seq.s32 s10, $0x1;
	s10 =	sld [smem:$0x3FA8]  }
0x3d: {  	_ =	shalt  }
0x3e: {  	_ =	shalt  }
0x3f: {  	_ =	shalt  }
0x40: {  	_ =	shalt  }
0x41: {  	_ =	shalt  }
0x42: {  	_ =	shalt  }
0x43: {  	_ =	shalt  }
0x44: {  	_ =	shalt  }
0x45: {  	_ =	shalt  }
0x46: {  	_ =	shalt  }
0x47: {  	_ =	shalt  }
0x48: {  	_ =	shalt  }
0x49: {  	_ =	shalt  }
0x4a: {  	_ =	shalt  }
0x4b: {  	_ =	shalt  }
0x4c: {  	_ =	shalt  }
0x4d: {  	_ =	shalt  }
0x4e: {  	_ =	shalt  }
0x4f: {  	_ =	shalt  }
0x50: {  	_ =	shalt  }
0x51: {  	_ =	shalt  }
0x52: {  	_ =	shalt  }
0x53: {  	_ =	shalt  }
0x54: {  	_ =	shalt  }
0x55: {  	_ =	shalt  }
0x56: {  	_ =	shalt  }
0x57: {  	_ =	shalt  }
0x58: {  	_ =	shalt  }
0x59: {  	_ =	shalt  }
0x5a: {  	_ =	shalt  }
0x5b: {  	_ =	shalt  }
0x5c: {  	_ =	shalt  }
0x5d: {  	_ =	shalt  }
0x5e: {  	_ =	shalt  }
0x5f: {  	_ =	shalt  }
0x60: {  	_ =	shalt  }
0x61: {  	_ =	shalt  }
0x62: {  	_ =	shalt  }
0x63: {  	_ =	shalt  }
0x64: {  	_ =	shalt  }
0x65: {  	_ =	shalt  }
0x66: {  	_ =	shalt  }
0x67: {  	_ =	shalt  }
0x68: {  	_ =	shalt  }
0x69: {  	_ =	shalt  }
0x6a: {  	_ =	shalt  }
0x6b: {  	_ =	shalt  }
0x6c: {  	_ =	shalt  }
0x6d: {  	_ =	shalt  }
0x6e: {  	_ =	shalt  }
0x6f: {  	_ =	shalt  }
0x70: {  	_ =	shalt  }
0x71: {  	_ =	shalt  }
0x72: {  	_ =	shalt  }
0x73: {  	_ =	shalt  }
0x74: {  	_ =	shalt  }
0x75: {  	_ =	shalt  }
0x76: {  	_ =	shalt  }
0x77: {  	_ =	shalt  }
0x78: {  	_ =	shalt  }
0x79: {  	_ =	shalt  }
0x7a: {  	_ =	shalt  }
0x7b: {  	_ =	shalt  }
0x7c: {  	_ =	shalt  }
0x7d: {  	_ =	shalt  }
0x7e: {  	_ =	shalt  }
0x7f: {  	_ =	shalt  }
0x80: {  	_ =	shalt  }
0x81: {  	_ =	shalt  }
0x82: {  	_ =	shalt  }
0x83: {  	_ =	shalt  }
0x84: {  	_ =	shalt  }
0x85: {  	_ =	shalt  }
0x86: {  	_ =	shalt  }
0x87: {  	_ =	shalt  }
.Lfunc_end0:
.L_simem_size_0:
called_computation_lowered:
.L_overlay_start_0:
0x88: {  	s2 =	sld [smem:$0x3FD9]  }
0x89: {  	s3 =	sld [smem:$0x3FFE];
	_ =	sdelay $0x1  }
0x8a: {  	s1 =	srdreg.scid  }
0x8b: {  	s0 =	sand.u32 $0x1, s1  }
0x8c: {  	s14 =	sshll.u32 s0, $0xA;
	s2 =	sadd.s32 s3, s2  }
0x8d: {  	s2 =	sadd.s32 s2, s14  }
0x8e: {  	[smem:$0x3FB4] =	sst s2  }
0x8f: {  	_ = 	snop  }
0x90: {  	s2 =	sld [smem:$0x3FD0];
	_ =	sdelay $0x2  }
0x91: {  	s15 =	simm.s32 $0xB;
	s4 =	simm.s32 $0x10  }
0x92: {  	[smem:s4], [sflag:s15] =	dma.local [hbm:s2], $0x1  }
0x93: {  	_ =	swait.eq [sflag:s15], $0x1  }
0x94: {  	[sflag:s15] =	ssyncset.done $0x0  }
0x95: {  	s16 =	sld [smem:$0x11];
	[sflag:s15] =	ssyncadd.s32 $0xFFFFFFFF  }
0x96: {  	s17 =	sld [smem:$0x12];
	(tm) =	ssettm $0x1  }
0x97: {  	s18 =	sld [smem:$0x3FFB];
	_ =	sdelay $0x3  }
0x98: {  	_ =	strace s18  }
0x99: {  	s4 =	sld [smem:$0x3FFC];
	_ =	sdelay $0x3  }
0x9a: {  	_ =	strace s4  }
0x9b: {  	s4 =	sld [smem:$0x3FFD];
	_ =	sdelay $0x3  }
0x9c: {  	_ =	strace s4  }
0x9d: {  	_ =	strace $0x8FFFFFFF  }
0x9e: {  	s19 =	sld [smem:$0x3FDB];
	_ =	sdelay $0x1  }
0x9f: {  	s5 =	simm.s32 $_scs_section_size  }
0xa0: {  	s6 =	simm.s32 $_size__tile_overlayer_lowered;
	s7 =	simm.s32 $_tile_overlayer_lowered  }
0xa1: {  	s22 =	simm.s32 $0x1BFF;
	s21 =	sshll.u32 s7, $0x1;
	s4 =	sadd.s32 s5, s19  }
0xa2: {  	s8 =	simm.s32 $0x0;
	s20 =	sshll.u32 s6, $0x1;
	s6 =	sadd.s32 s21, s4  }
0xa3: {  	[timem:s8], [sflag:s22] =	dma.local [hbm:s6], s20  }
0xa4: {  	_ =	swait.ge [sflag:s22], s20  }
0xa5: {  	s5 =	ssub.s32 $0x0, s20;
	[sflag:s22] =	ssyncset.done $0x0  }
0xa6: {  	[sflag:s22] =	ssyncadd.s32 s5;
	_ =	sdelay $0x1  }
0xa7: {  	s23 =	simm.s32 $0x1B8B  }
0xa8: {  	_ =	swait.ge [sflag:s23], $0x1  }
0xa9: {  	[sflag:s23] =	ssyncset.done $0x0  }
0xaa: {  	s25 =	simm.s32 $0x1B8E;
	s24 =	sld [smem:$0x3FFE];
	[sflag:s23] =	ssyncadd.s32 $0xFFFFFFFF  }
0xab: {  	s26 =	simm.s32 $execute0_lowered;
	[smem:$0x3FD2] =	sst s25  }
0xac: {  	s6 =	sshll.u32 s26, $0x1;
	_ =	strace $0x80000046;
	[dreg:$0x1] =	wrdreg $0xFFFFFFFF  }
0xad: {  	s28 =	simm.s32 $_size_execute0_lowered;
	s4 =	sadd.s32 s4, s6;
	[dreg:$0x0] =	wrdreg $0x0  }
0xae: {  	s6 =	sshll.u32 s28, $0x1;
	[dreg:$0x2] =	wrdreg s4  }
0xaf: {  	[dreg:$0x3] =	wrdreg s6  }
0xb0: {  	[dreg:$0x4] =	wrdreg $0xC0  }
0xb1: {  	_ =	task [dreg:s8], $0x5FFFF  }
0xb2: {  	[dreg:$0x1] =	wrdreg $0xFFFFFFFF  }
0xb3: {  	[dreg:$0x0] =	wrdreg $0x60  }
0xb4: {  	[dreg:$0x2] =	wrdreg s24  }
0xb5: {  	[dreg:$0x3] =	wrdreg s16  }
0xb6: {  	[dreg:$0x4] =	wrdreg s17  }
0xb7: {  	[dreg:$0x5] =	wrdreg $0x9C800  }
0xb8: {  	[dreg:$0x6] =	wrdreg $0x9  }
0xb9: {  	_ =	task.clear_ibuf [dreg:s8], $0x7FFFF;
	_ =	strace $0x90000046  }
0xba: {  	s29 =	simm.s32 $0x9;
	_ =	strace $0x80000048  }
0xbb: {  	_ =	swait.ge [sflag:s29], $0x1  }
0xbc: {  	[sflag:s29] =	ssyncadd.s32 $0xFFFFFFFF  }
0xbd: {  	_ =	strace $0x90000048  }
0xbe: {  	_ =	sfence  }
0xbf: {  	s30 =	sld [smem:$0x0];
	_ =	sdelay $0x2  }
0xc0: {  	s31 =	sshll.u32 s1, $0xD;
	s1 =	sshrl.u32 s1, $0x2  }
0xc1: {  	s3 =	sand.u32 $0x4000, s31;
	s1 =	sadd.s32 s1, s30  }
0xc2: {  	s0 =	sor.u32 s3, s0;
	s1 =	sshll.u32 s1, $0x11  }
0xc3: {  	s0 =	sor.u32 s1, s0  }
0xc4: {  	s0 =	sadd.s32 $0x8F2B, s0  }
0xc5: {  	[sflag:s0] =	ssyncadd.remote.s32 $0x1  }
0xc6: {  	_ =	sfence.sel $0xFFFF  }
0xc7: {  	[dreg:$0x0] =	wrdreg $0xFFFFFFFF;
	(pc) =	sbr.abs _section_cstart, $3  }
0xc8: {  	[dreg:$0x1] =	wrdreg $0xFFFFFFFF  }
0xc9: {  	_ =	task.clear_ibuf [dreg:s8], $0x2FFFF;
	_ =	strace $0x9FFFFFFF  }
0xca: {  	(tm) =	ssettm $0x7FFFFFFF  }
0xcb: {  	_ =	shalt  }
tec
execute0_lowered:
.L_overlay_start_1:
0x0: {  	(tag) =	ssettag $0x1  }
0x1: {  	s3 =	rddreg [dreg:$0x0]  }
0x2: {  	s6 =	rddreg [dreg:$0x1]  }
0x3: {  	s9 =	rddreg [dreg:$0x2];
	s0 =	srdreg.scid  }
0x4: {  	s12 =	stileid.u32;
	s1 =	rddreg [dreg:$0x3]  }
0x5: {  	s2 =	simm.s32 $0x0;
	s13 =	simm.s32 $0xB648;
	s14 =	simm.s32 $0x6  }
0x6: {  	s15 =	simm.s32 $0x2;
	s16 =	simm.s32 $0xE648;
	s17 =	simm.s32 $0x3  }
0x7: {  	s18 =	simm.s32 $0x16648;
	s19 =	simm.s32 $0x5;
	s20 =	simm.s32 $0x4  }
0x8: {  	s21 =	simm.s32 $0x0;
	s4 =	sand.u32 $0x1, s0;
	s0 =	rddreg [dreg:$0x4]  }
0x9: {  	s5 =	sshll.u32 s12, $0x1;
	[smem:$0x7FF] =	sst s2;
	s3 =	sadd.s32 $0x3400, s3  }
0xa: {  	p0 =	sne.s32 s12, $0x0;
	p1 =	sgt.u32 s12, $0x3;
	s7 =	sor.u32 s4, s5  }
0xb: {  	s12 =	simm.s32 $0xA648;
	s10 =	sor.u32 $0x20, s7;
	s5 =	smul.u32 $0xFA0, s7  }
0xc: {  	_ =	strace $0x80000047;
	s4 =	ssub.s32 $0x2, s4;
	s8 =	smul.u32 $0xFA0, s10  }
.Ltmp0:
0xd: {  	s11 =	sshrl.u32 s4, $0x1;
	s5 =	sshrl.u32 s5, $0x3;
	(pc) =	sbr.rel .LBB2_1-.Ltmp0, $4  }
0xe: {  	s31 =	sshll.u32 s7, $0xC;
	s11 =	ssub.s32 s4, s11;
	s4 =	sadd.s32 s6, s5  }
0xf: {  	s10 =	sshll.u32 s10, $0xC;
	s8 =	sshrl.u32 s8, $0x3;
	s5 =	sadd.s32 $0x9C40, s4  }
0x10: {  	s6 =	sadd.s32 s6, s8;
	s8 =	sadd.s32 s9, s31;
	s9 =	sadd.s32 s9, s10  }
0x11: {  	s10 =	smax.u32 s11, $0x1;
	s11 =	sshrl.u32 @!p0 s1, $0x3;
	s7 =	sadd.s32 $0x9C40, s6  }
.LBB2_6:
0x12: {  	[tilespmem:s28+$0x16648] =	vst v0  }
0x13: {  	[hbm4b:s9+s2] =	stream.linear.scatter [tilespmem:s18], [sflag:$0x5], $0x8000, $0x38;
	[tilespmem:$0x1E648] =	vst v63  }
0x14: {  	_ =	swait.ge [sflag:s19], $0x8000  }
0x15: {  	[sflag:s19] =	ssyncset.done $0x0  }
0x16: {  	[sflag:s19] =	ssyncadd.s32 $0xFFFF8000  }
.LBB2_7:
0x17: {  	s21 =	sadd.s32 $0x1, s21  }
0x18: {  	p2 =	sne.s32 s21, s10  }
.Ltmp1:
0x19: {  	_ = 	snop;
	(pc) =	sbr.rel @!p2 .LBB2_8-.Ltmp1, $4  }
0x1a: {  	_ = 	snop  }
0x1b: {  	_ =	swait.ge [sflag:s20], $0x8000  }
0x1c: {  	[sflag:s20] =	ssyncset.done $0x0  }
0x1d: {  	[sflag:s20] =	ssyncadd.s32 $0xFFFF8000  }
.LBB2_1:
0x1e: {  	s22 =	simm.s32 @!p0 $0x1C01  }
0x1f: {  	[spmem:s11], [sflag:s22] =	dma.local @!p0 [hbm:s3], $0x1390  }
0x20: {  	s22 =	simm.s32 @!p0 $0x1  }
0x21: {  	_ =	swait.ge @!p0 [sflag:s22], $0x1390  }
0x22: {  	[sflag:s22] =	ssyncset.done @!p0 $0x0  }
0x23: {  	[sflag:s22] =	ssyncadd.s32 @!p0 $0xFFFFEC70  }
0x24: {  	[tilespmem:s12], [sflag:$0x2] =	stream.linear.gather [hbm4b:s4+s2], $0xFA0, $0x38;
	[tilespmem:$0x1E648] =	vst v63  }
0x25: {  	_ = 	snop  }
0x26: {  	[tilespmem:s13], [sflag:$0x2] =	stream.linear.gather [hbm4b:s5+s2], $0xFA0, $0x38;
	[tilespmem:$0x1E648] =	vst v63  }
0x27: {  	s23 =	simm.s32 @!p1 $0xC648;
	s22 =	simm.s32 @!p1 $0x0  }
0x28: {  	[tilespmem:s23], [sflag:$0x3] =	stream.linear.gather @!p1 [hbm4b:s6+s22], $0xFA0, $0x38;
	[tilespmem:$0x1E648] =	vst v63  }
0x29: {  	s23 =	simm.s32 @!p1 $0xD648  }
0x2a: {  	[tilespmem:s23], [sflag:$0x3] =	stream.linear.gather @!p1 [hbm4b:s7+s22], $0xFA0, $0x38;
	[tilespmem:$0x1E648] =	vst v63  }
0x2b: {  	[bflag:$0x0] =	sbarrier.arrive $0xFFFF  }
0x2c: {  	[tilespmem:s2], [sflag:$0x6] =	stream.linear.gather [spmem:s1], $0x9C80, $0x38;
	[tilespmem:$0x1E648] =	vst v63  }
0x2d: {  	_ =	swait.ge [sflag:s14], $0x9C80  }
0x2e: {  	[sflag:s14] =	ssyncset.done $0x0  }
0x2f: {  	[sflag:s14] =	ssyncadd.s32 $0xFFFF6380  }
0x30: {  	_ =	swait.ge [sflag:s15], $0xFA0  }
0x31: {  	[sflag:s15] =	ssyncset.done $0x0  }
0x32: {  	[sflag:s15] =	ssyncadd.s32 $0xFFFFF060  }
0x33: {  	_ =	swait.ge [sflag:s15], $0xFA0  }
0x34: {  	[sflag:s15] =	ssyncset.done $0x0  }
0x35: {  	[sflag:s15] =	ssyncadd.s32 $0xFFFFF060  }
0x36: {  	v0 =	vld [tilespmem:s12+$0x0];
	_ =	sdelay $0x4  }
0x37: {  	v0 =	vshll.u32 v0, $0x2  }
0x38: {  	v1 =	vld [tilespmem:s13+$0x0];
	_ =	sdelay $0x3  }
0x39: {  	v2 =	vld.idx.msk [tilespmem:v0+s2+$0x0], $0xffff  }
0x3a: {  	v1 =	vshll.u32 v1, $0x2;
	_ =	sdelay $0x1  }
0x3b: {  	s29 =	sand.u32 $0x70, s2;
	s30 =	sand.u32 $0x7C00, s2  }
0x3c: {  	s23 =	sor.u32 s29, s30  }
0x3d: {  	[tilespmem:s23+$0xE648] =	vst v2  }
0x3e: {  	v2 =	vld.idx.msk [tilespmem:v1+s2+$0x0], $0xffff  }
0x3f: {  	v3 =	vor.u32 $0x1, v0;
	_ =	sdelay $0x3  }
0x40: {  	[tilespmem:s23+$0xE848] =	vst v2  }
0x41: {  	v2 =	vld.idx.msk [tilespmem:v3+s2+$0x0], $0xffff  }
0x42: {  	v3 =	vor.u32 $0x1, v1;
	_ =	sdelay $0x3  }
0x43: {  	[tilespmem:s23+$0xE6C8] =	vst v2  }
0x44: {  	v2 =	vld.idx.msk [tilespmem:v3+s2+$0x0], $0xffff  }
0x45: {  	v3 =	vor.u32 $0x2, v0;
	_ =	sdelay $0x3  }
0x46: {  	[tilespmem:s23+$0xE8C8] =	vst v2  }
0x47: {  	v2 =	vld.idx.msk [tilespmem:v3+s2+$0x0], $0xffff  }
0x48: {  	v3 =	vor.u32 $0x2, v1;
	_ =	sdelay $0x3  }
0x49: {  	[tilespmem:s23+$0xE748] =	vst v2  }
0x4a: {  	v2 =	vld.idx.msk [tilespmem:v3+s2+$0x0], $0xffff  }
0x4b: {  	v0 =	vor.u32 $0x3, v0;
	_ =	sdelay $0x3  }
0x4c: {  	[tilespmem:s23+$0xE948] =	vst v2  }
0x4d: {  	v0 =	vld.idx.msk [tilespmem:v0+s2+$0x0], $0xffff  }
0x4e: {  	v1 =	vor.u32 $0x3, v1;
	_ =	sdelay $0x3  }
0x4f: {  	[tilespmem:s23+$0xE7C8] =	vst v0  }
0x50: {  	v0 =	vld.idx.msk [tilespmem:v1+s2+$0x0], $0xffff  }
0x51: {  	s31 =	sand.u32 $0x7, s2  }
0x52: {  	s25 =	simm.s32 $0x0;
	s22 =	sshll.u32 s31, $0x4  }
0x53: {  	s26 =	simm.s32 $0xA648;
	s24 =	sadd.s32 $0x0, s22;
	s22 =	simm.s32 $0x10  }
0x54: {  	s28 =	sor.u32 $0x380, s24;
	s24 =	simm.s32 $0x0;
	s23 =	simm.s32 $0xB658  }
.LBB2_2:
0x55: {  	[tilespmem:s28+$0xE648] =	vst v0;
	s24 =	sadd.s32 $0x80, s24;
	s25 =	sadd.s32 $0x1, s25;
	s26 =	sadd.s32 $0x10, s26  }
0x56: {  	p2 =	sne.s32 s22, $0xF90;
	s28 =	smov.u32 s22;
	s22 =	sadd.s32 $0x10, s22;
	v0 =	vld [tilespmem:s26+$0x0]  }
0x57: {  	_ =	sdelay $0x3  }
0x58: {  	v0 =	vshll.u32 v0, $0x2;
	_ =	sdelay $0x1  }
0x59: {  	v1 =	vld [tilespmem:s23+$0x0];
	_ =	sdelay $0x2  }
0x5a: {  	v2 =	vld.idx.msk [tilespmem:v0+s2+$0x0], $0xffff;
	_ =	sdelay $0x1  }
0x5b: {  	v1 =	vshll.u32 v1, $0x2;
	_ =	sdelay $0x1  }
0x5c: {  	s28 =	sand.u32 $0x70, s28;
	s29 =	sand.u32 $0x7C00, s24  }
0x5d: {  	s28 =	sor.u32 s28, s29  }
0x5e: {  	[tilespmem:s28+$0xE648] =	vst v2  }
0x5f: {  	v2 =	vld.idx.msk [tilespmem:v1+s2+$0x0], $0xffff;
	_ =	sdelay $0x1  }
0x60: {  	v3 =	vor.u32 $0x1, v0;
	_ =	sdelay $0x3  }
0x61: {  	[tilespmem:s28+$0xE848] =	vst v2  }
0x62: {  	v2 =	vld.idx.msk [tilespmem:v3+s2+$0x0], $0xffff;
	_ =	sdelay $0x1  }
0x63: {  	v3 =	vor.u32 $0x1, v1;
	_ =	sdelay $0x3  }
0x64: {  	[tilespmem:s28+$0xE6C8] =	vst v2  }
0x65: {  	v2 =	vld.idx.msk [tilespmem:v3+s2+$0x0], $0xffff;
	_ =	sdelay $0x1  }
0x66: {  	v3 =	vor.u32 $0x2, v0;
	_ =	sdelay $0x3  }
0x67: {  	[tilespmem:s28+$0xE8C8] =	vst v2  }
0x68: {  	v2 =	vld.idx.msk [tilespmem:v3+s2+$0x0], $0xffff;
	_ =	sdelay $0x1  }
0x69: {  	v3 =	vor.u32 $0x2, v1;
	_ =	sdelay $0x3  }
0x6a: {  	[tilespmem:s28+$0xE748] =	vst v2  }
0x6b: {  	v2 =	vld.idx.msk [tilespmem:v3+s2+$0x0], $0xffff;
	_ =	sdelay $0x1  }
0x6c: {  	v0 =	vor.u32 $0x3, v0;
	_ =	sdelay $0x3  }
0x6d: {  	[tilespmem:s28+$0xE948] =	vst v2  }
0x6e: {  	v0 =	vld.idx.msk [tilespmem:v0+s2+$0x0], $0xffff;
	_ =	sdelay $0x1  }
0x6f: {  	v1 =	vor.u32 $0x3, v1;
	_ =	sdelay $0x3  }
0x70: {  	[tilespmem:s28+$0xE7C8] =	vst v0  }
0x71: {  	v0 =	vld.idx.msk [tilespmem:v1+s2+$0x0], $0xffff  }
.Ltmp2:
0x72: {  	(pc) =	sbr.rel @p2 .LBB2_2-.Ltmp2, $4  }
0x73: {  	s28 =	sand.u32 $0x7, s25  }
0x74: {  	s28 =	sshll.u32 s28, $0x4  }
0x75: {  	s28 =	sadd.s32 s28, s24  }
0x76: {  	s23 =	sadd.s32 $0x10, s23;
	s28 =	sor.u32 $0x380, s28  }
.Ltmp3:
0x77: {  	(pc) =	sbr.rel @p1 .LBB2_7-.Ltmp3, $3  }
0x78: {  	_ =	sdelay $0x1  }
0x79: {  	[tilespmem:s28+$0xE648] =	vst v0  }
0x7a: {  	[hbm4b:s8+s2] =	stream.linear.scatter [tilespmem:s16], [sflag:$0x4], $0x8000, $0x38;
	[tilespmem:$0x1E648] =	vst v63  }
0x7b: {  	_ =	swait.ge [sflag:s17], $0xFA0  }
0x7c: {  	[sflag:s17] =	ssyncset.done $0x0  }
0x7d: {  	[sflag:s17] =	ssyncadd.s32 $0xFFFFF060  }
0x7e: {  	_ =	swait.ge [sflag:s17], $0xFA0  }
0x7f: {  	[sflag:s17] =	ssyncset.done $0x0  }
0x80: {  	s22 =	simm.s32 $0xC648;
	[sflag:s17] =	ssyncadd.s32 $0xFFFFF060  }
0x81: {  	v0 =	vld [tilespmem:s22+$0x0];
	_ =	sdelay $0x4  }
0x82: {  	s23 =	simm.s32 $0xD648;
	v0 =	vshll.u32 v0, $0x2  }
0x83: {  	v1 =	vld [tilespmem:s23+$0x0];
	_ =	sdelay $0x3  }
0x84: {  	v2 =	vld.idx.msk [tilespmem:v0+s2+$0x0], $0xffff  }
0x85: {  	v1 =	vshll.u32 v1, $0x2  }
0x86: {  	s23 =	simm.s32 $0x0  }
0x87: {  	s24 =	sand.u32 $0x70, s23;
	s25 =	sand.u32 $0x7C00, s23  }
0x88: {  	s24 =	sor.u32 s24, s25  }
0x89: {  	[tilespmem:s24+$0x16648] =	vst v2  }
0x8a: {  	v2 =	vld.idx.msk [tilespmem:v1+s2+$0x0], $0xffff  }
0x8b: {  	v3 =	vor.u32 $0x1, v0;
	_ =	sdelay $0x2  }
0x8c: {  	s25 =	sadd.s32 $0x16648, s24  }
0x8d: {  	[tilespmem:s25+$0x200] =	vst v2  }
0x8e: {  	v2 =	vld.idx.msk [tilespmem:v3+s2+$0x0], $0xffff  }
0x8f: {  	v3 =	vor.u32 $0x1, v1;
	_ =	sdelay $0x3  }
0x90: {  	[tilespmem:s25+$0x80] =	vst v2  }
0x91: {  	v2 =	vld.idx.msk [tilespmem:v3+s2+$0x0], $0xffff  }
0x92: {  	v3 =	vor.u32 $0x2, v0;
	_ =	sdelay $0x3  }
0x93: {  	[tilespmem:s25+$0x280] =	vst v2  }
0x94: {  	v2 =	vld.idx.msk [tilespmem:v3+s2+$0x0], $0xffff  }
0x95: {  	v3 =	vor.u32 $0x2, v1;
	_ =	sdelay $0x3  }
0x96: {  	[tilespmem:s25+$0x100] =	vst v2  }
0x97: {  	v2 =	vld.idx.msk [tilespmem:v3+s2+$0x0], $0xffff  }
0x98: {  	v0 =	vor.u32 $0x3, v0;
	_ =	sdelay $0x3  }
0x99: {  	[tilespmem:s25+$0x300] =	vst v2  }
0x9a: {  	v0 =	vld.idx.msk [tilespmem:v0+s2+$0x0], $0xffff  }
0x9b: {  	v1 =	vor.u32 $0x3, v1;
	_ =	sdelay $0x3  }
0x9c: {  	[tilespmem:s25+$0x180] =	vst v0  }
0x9d: {  	v0 =	vld.idx.msk [tilespmem:v1+s2+$0x0], $0xffff  }
0x9e: {  	s30 =	sand.u32 $0x7, s23  }
0x9f: {  	s26 =	sshll.u32 s30, $0x4  }
0xa0: {  	s31 =	sadd.s32 $0x0, s26;
	s26 =	simm.s32 $0x0  }
0xa1: {  	s28 =	sor.u32 $0x380, s31;
	s24 =	simm.s32 $0x10;
	s25 =	simm.s32 $0xD658  }
.LBB2_5:
0xa2: {  	[tilespmem:s28+$0x16648] =	vst v0;
	s23 =	sadd.s32 $0x80, s23;
	s26 =	sadd.s32 $0x1, s26;
	s22 =	sadd.s32 $0x10, s22  }
0xa3: {  	p2 =	sne.s32 s24, $0xF90;
	s28 =	smov.u32 s24;
	s24 =	sadd.s32 $0x10, s24;
	v0 =	vld [tilespmem:s22+$0x0]  }
0xa4: {  	_ =	sdelay $0x3  }
0xa5: {  	v0 =	vshll.u32 v0, $0x2;
	_ =	sdelay $0x1  }
0xa6: {  	v1 =	vld [tilespmem:s25+$0x0];
	_ =	sdelay $0x2  }
0xa7: {  	v2 =	vld.idx.msk [tilespmem:v0+s2+$0x0], $0xffff;
	_ =	sdelay $0x1  }
0xa8: {  	v1 =	vshll.u32 v1, $0x2;
	_ =	sdelay $0x1  }
0xa9: {  	s28 =	sand.u32 $0x70, s28;
	s29 =	sand.u32 $0x7C00, s23  }
0xaa: {  	s28 =	sor.u32 s28, s29  }
0xab: {  	[tilespmem:s28+$0x16648] =	vst v2  }
0xac: {  	v2 =	vld.idx.msk [tilespmem:v1+s2+$0x0], $0xffff;
	_ =	sdelay $0x1  }
0xad: {  	v3 =	vor.u32 $0x1, v0;
	_ =	sdelay $0x2  }
0xae: {  	s28 =	sadd.s32 $0x16648, s28  }
0xaf: {  	[tilespmem:s28+$0x200] =	vst v2  }
0xb0: {  	v2 =	vld.idx.msk [tilespmem:v3+s2+$0x0], $0xffff;
	_ =	sdelay $0x1  }
0xb1: {  	v3 =	vor.u32 $0x1, v1;
	_ =	sdelay $0x3  }
0xb2: {  	[tilespmem:s28+$0x80] =	vst v2  }
0xb3: {  	v2 =	vld.idx.msk [tilespmem:v3+s2+$0x0], $0xffff;
	_ =	sdelay $0x1  }
0xb4: {  	v3 =	vor.u32 $0x2, v0;
	_ =	sdelay $0x3  }
0xb5: {  	[tilespmem:s28+$0x280] =	vst v2  }
0xb6: {  	v2 =	vld.idx.msk [tilespmem:v3+s2+$0x0], $0xffff;
	_ =	sdelay $0x1  }
0xb7: {  	v3 =	vor.u32 $0x2, v1;
	_ =	sdelay $0x3  }
0xb8: {  	[tilespmem:s28+$0x100] =	vst v2  }
0xb9: {  	v2 =	vld.idx.msk [tilespmem:v3+s2+$0x0], $0xffff;
	_ =	sdelay $0x1  }
0xba: {  	v0 =	vor.u32 $0x3, v0;
	_ =	sdelay $0x3  }
0xbb: {  	[tilespmem:s28+$0x300] =	vst v2  }
0xbc: {  	v0 =	vld.idx.msk [tilespmem:v0+s2+$0x0], $0xffff;
	_ =	sdelay $0x1  }
0xbd: {  	v1 =	vor.u32 $0x3, v1;
	_ =	sdelay $0x3  }
0xbe: {  	[tilespmem:s28+$0x180] =	vst v0  }
0xbf: {  	v0 =	vld.idx.msk [tilespmem:v1+s2+$0x0], $0xffff  }
.Ltmp4:
0xc0: {  	(pc) =	sbr.rel @p2 .LBB2_5-.Ltmp4, $4  }
0xc1: {  	s28 =	sand.u32 $0x7, s26  }
0xc2: {  	s28 =	sshll.u32 s28, $0x4  }
0xc3: {  	s28 =	sadd.s32 s28, s23  }
0xc4: {  	s25 =	sadd.s32 $0x10, s25;
	s28 =	sor.u32 $0x380, s28  }
.Ltmp5:
0xc5: {  	_ = 	snop;
	(pc) =	sbr.rel .LBB2_6-.Ltmp5, $1  }
0xc6: {  	_ =	sdelay $0x3  }
.LBB2_8:
0xc7: {  	_ =	sfence.sel $0x180000  }
0xc8: {  	[bflag:$0x0] =	sbarrier.arrive $0xFFFF  }
0xc9: {  	_ =	strace $0x90000047  }
0xca: {  	s0 =	sadd.s32 @!p0 $0x100000, s0;
	[bflag:$0x2] =	sbarrier.arrive $0xFFFF  }
0xcb: {  	[sflag:s0] =	ssyncadd.tile.s32 @!p0 $0x1;
	_ =	shalt  }
.Lfunc_end2:
_tile_overlayer_lowered:
.L_overlay_start_2:
0xcc: {  	(tag) =	ssettag $0x2  }
0xcd: {  	s0 =	rddreg [dreg:$0x0];
	s2 =	stileid.u32  }
0xce: {  	s1 =	rddreg [dreg:$0x1];
	p0 =	sne.s32 s2, $0x0  }
0xcf: {  	s3 =	rddreg [dreg:$0x2];
	[bflag:$0x3] =	sbarrier.arrive $0xFFFF;
	s2 =	simm.s32 @!p0 $0x1C06  }
0xd0: {  	[timem:s3], [sflag:s2] =	dma.local @!p0 [hbm:s0], s1  }
0xd1: {  	s0 =	simm.s32 @!p0 $0x6  }
0xd2: {  	_ =	swait.ge @!p0 [sflag:s0], s1  }
0xd3: {  	s1 =	ssub.s32 @!p0 $0x0, s1;
	[sflag:s0] =	ssyncset.done @!p0 $0x0  }
0xd4: {  	[sflag:s0] =	ssyncadd.s32 @!p0 s1  }
0xd5: {  	[bflag:$0x3] =	sbarrier.arrive $0xFFFF  }
0xd6: {  	_ =	shalt  }

</sc_bundles>
